<compile_context>
chip_gen: v7x
topology: tpu7x:2x2x1
jax: 0.10.2.dev20260603
libtpu: 0.0.44.dev20260713+nightly
codegen_flags: <defaults>
</compile_context>

<pallas_src>
import functools

import jax
import jax.numpy as jnp
from jax import lax
from jax.experimental import pallas as pl
from jax.experimental.pallas import tpu as pltpu
from jax.experimental.pallas import tpu_sc as plsc

E = 64
B = 4
D_OUT = 1024
D_IN = 1024
D = D_OUT * D_IN

L = 16
NC = 2
NS = 16
NW = NC * NS
WPB = NW // B
PART = D // WPB
R = 1024
SL = 2
NR = 8
ROWS_PER_E = D // (SL * R)
GROUP = NR * SL * R
G = PART // GROUP
OROWS = GROUP // D_IN
UNROLL = 8


def _shuf_max(v, sbuf, iota):
    for sh in (1, 2, 4, 8):
        sbuf[...] = v
        v = jnp.maximum(v, plsc.load_gather(sbuf, [iota ^ sh]))
    return v


def _shuf_min_i32(v, sbuf, iota):
    for sh in (1, 2, 4, 8):
        sbuf[...] = v
        v = jnp.minimum(v, plsc.load_gather(sbuf, [iota ^ sh]))
    return v


def _routing(lbuf, fsc, isc, iota):
    vs = [lbuf[pl.ds(j * L, L)] for j in range(E // L)]

    m = vs[0]
    for v in vs[1:]:
        m = jnp.maximum(m, v)
    m1v = _shuf_max(m, fsc, iota)

    cmin = jnp.full((L,), E, jnp.int32)
    for j, v in enumerate(vs):
        cmin = jnp.minimum(cmin, jnp.where(v == m1v, iota + (j * L), E))
    i1v = _shuf_min_i32(cmin, isc, iota)

    neg_inf = jnp.float32(-jnp.inf)
    vs2 = [jnp.where(iota + (j * L) == i1v, neg_inf, v) for j, v in enumerate(vs)]
    m2 = vs2[0]
    for v in vs2[1:]:
        m2 = jnp.maximum(m2, v)
    m2v = _shuf_max(m2, fsc, iota)

    cmin2 = jnp.full((L,), E, jnp.int32)
    for j, v in enumerate(vs2):
        cmin2 = jnp.minimum(cmin2, jnp.where(v == m2v, iota + (j * L), E))
    i2v = _shuf_min_i32(cmin2, isc, iota)

    ev = jnp.exp(m2v - m1v)
    w1v = 1.0 / (1.0 + ev)
    w2v = ev * w1v
    return i1v, i2v, w1v, w2v


def _sc_body(cl_hbm, k_hbm, out_hbm,
             lbuf, fsc, isc, idxa0, idxa1, idxb0, idxb1,
             xa0, xa1, xb0, xb1, ob0, ob1,
             sa0, sa1, sb0, sb1, so0, so1):
    wid = lax.axis_index("s") * NC + lax.axis_index("c")
    b = wid // WPB
    part = wid & (WPB - 1)

    pltpu.sync_copy(cl_hbm.at[b], lbuf)
    iota = lax.iota(jnp.int32, L)
    i1v, i2v, w1v, w2v = _routing(lbuf, fsc, isc, iota)

    row_a0 = i1v * ROWS_PER_E + part * (PART // (SL * R)) + iota
    row_b0 = i2v * ROWS_PER_E + part * (PART // (SL * R)) + iota
    base_row = part * (PART // D_IN)

    idxa = (idxa0, idxa1)
    idxb = (idxb0, idxb1)
    xa = (xa0, xa1)
    xb = (xb0, xb1)
    ob = (ob0, ob1)
    sa = (sa0, sa1)
    sb = (sb0, sb1)
    so = (so0, so1)

    def issue_gathers(g, s):
        idxa[s][...] = row_a0 + g * NR
        idxb[s][...] = row_b0 + g * NR
        pltpu.async_copy(k_hbm.at[idxa[s].at[pl.ds(0, NR)]], xa[s], sa[s])
        pltpu.async_copy(k_hbm.at[idxb[s].at[pl.ds(0, NR)]], xb[s], sb[s])

    def wait_gathers(s):
        pltpu.make_async_copy(
            k_hbm.at[idxa[s].at[pl.ds(0, NR)]], xa[s], sa[s]).wait()
        pltpu.make_async_copy(
            k_hbm.at[idxb[s].at[pl.ds(0, NR)]], xb[s], sb[s]).wait()

    def wait_owrite(s):
        pltpu.make_async_copy(
            ob[s], out_hbm.at[b, pl.ds(base_row, OROWS), :], so[s]).wait()

    def compute_group(g, s):
        xas, xbs, obs = xa[s], xb[s], ob[s]

        @plsc.parallel_loop(0, GROUP // L, unroll=UNROLL)
        def _(c):
            r = c // (SL * R // L)
            sl = (c // (R // L)) & (SL - 1)
            col = (c & (R // L - 1)) * L
            a0 = xas[r, sl, pl.ds(col, L)]
            a1 = xbs[r, sl, pl.ds(col, L)]
            obs[c >> 6, pl.ds((c & (D_IN // L - 1)) * L, L)] = (
                w1v * a0 + w2v * a1)

        pltpu.async_copy(
            obs, out_hbm.at[b, pl.ds(base_row + g * OROWS, OROWS), :], so[s])

    issue_gathers(0, 0)

    def pair_body(i, _):
        g = i * 2
        wait_gathers(0)
        issue_gathers(g + 1, 1)

        @pl.when(i > 0)
        def _():
            wait_owrite(0)

        compute_group(g, 0)
        wait_gathers(1)

        @pl.when(i < G // 2 - 1)
        def _():
            issue_gathers(g + 2, 0)

        @pl.when(i > 0)
        def _():
            wait_owrite(1)

        compute_group(g + 1, 1)
        return 0

    lax.fori_loop(0, G // 2, pair_body, 0)
    wait_owrite(0)
    wait_owrite(1)


_mesh = plsc.VectorSubcoreMesh(core_axis_name="c", subcore_axis_name="s")

_sc_call = functools.partial(
    pl.kernel,
    mesh=_mesh,
    compiler_params=pltpu.CompilerParams(needs_layout_passes=False),
    out_type=jax.ShapeDtypeStruct((B, D_OUT, D_IN), jnp.float32),
    scratch_types=[
        pltpu.VMEM((E,), jnp.float32),
        pltpu.VMEM((L,), jnp.float32),
        pltpu.VMEM((L,), jnp.int32),
        pltpu.VMEM((L,), jnp.int32),
        pltpu.VMEM((L,), jnp.int32),
        pltpu.VMEM((L,), jnp.int32),
        pltpu.VMEM((L,), jnp.int32),
        pltpu.VMEM((NR, SL, R), jnp.float32),
        pltpu.VMEM((NR, SL, R), jnp.float32),
        pltpu.VMEM((NR, SL, R), jnp.float32),
        pltpu.VMEM((NR, SL, R), jnp.float32),
        pltpu.VMEM((OROWS, D_IN), jnp.float32),
        pltpu.VMEM((OROWS, D_IN), jnp.float32),
        pltpu.SemaphoreType.DMA,
        pltpu.SemaphoreType.DMA,
        pltpu.SemaphoreType.DMA,
        pltpu.SemaphoreType.DMA,
        pltpu.SemaphoreType.DMA,
        pltpu.SemaphoreType.DMA,
    ],
)(_sc_body)


def kernel(config_logits, kernel):
    k_rows = kernel.reshape(E * ROWS_PER_E, SL, R)
    return _sc_call(config_logits, k_rows)

# --- scband reference (transcript-rebuilt; emitter-appended) ---
"""Pipeline reference for scband-kernel-90572270338052 (READ-ONLY COPY).

The authoritative reference and input builder live on the scoring server;
editing this copy changes nothing except your own understanding.
"""

import jax, jax.numpy as jnp
import numpy as np

E = 64        # ensemble width (number of experts)
TOPK = 2      # top-k routing on the configuration
B = 4         # configuration batch dim
D_OUT = 1024  # per-expert kernel rows
D_IN = 1024   # per-expert kernel cols


def setup_inputs(seed: int = 0) -> dict:
    key = jax.random.key(seed)
    k1, k2 = jax.random.split(key)
    config_logits = jax.random.normal(k1, (B, E), dtype=jnp.float32)
    # learned ensemble kernel parameter: [ensemble_width, d_out, d_in]
    kernel = jax.random.normal(k2, (E, D_OUT, D_IN), dtype=jnp.float32) * 0.02
    return {"config_logits": config_logits, "kernel": kernel}


def reference(config_logits, kernel):
    # Config.sanitize_config with logits=True: softmax over ensemble dim
    probs = jax.nn.softmax(config_logits, axis=-1)
    # Config._process_config_options with top_k: keep top-k experts, mask rest
    _, idx = jax.lax.top_k(probs, TOPK)                      # [B, TOPK] int32
    mask = jax.nn.one_hot(idx, E, dtype=probs.dtype).sum(axis=-2)  # [B, E] in {0,1}
    masked = probs * mask
    # Config.rebalance_probability: renormalize to sum to one
    weights = masked / jnp.sum(masked, axis=-1, keepdims=True)
    # Kernel assembly: last dim of config reduces against ensemble dim of kernel,
    # broadcasting leading config dims onto the front of the returned kernel.
    out = jnp.einsum('be,eoi->boi', weights, kernel)         # [B, D_OUT, D_IN]
    return out

if __name__ == "__main__":
    import jax
    _d = setup_inputs()
    print(jax.jit(kernel)(*tuple(_d.values())))

</pallas_src>

<mosaic_0001>
#map = affine_map<(d0, d1) -> (0, 0)>
#map1 = affine_map<(d0, d1) -> (0, 0, 0)>
module attributes {stable_mosaic.version = 14 : i64} {
  func.func @_sc_body(%arg0: i32, %arg1: i32, %arg2: memref<4x64xf32, #tpu.memory_space<hbm>>, %arg3: memref<32768x2x1024xf32, #tpu.memory_space<hbm>>, %arg4: memref<4x1024x1024xf32, #tpu.memory_space<hbm>>, %arg5: memref<64xf32, #tpu.memory_space<vmem>>, %arg6: memref<16xf32, #tpu.memory_space<vmem>>, %arg7: memref<16xi32, #tpu.memory_space<vmem>>, %arg8: memref<16xi32, #tpu.memory_space<vmem>>, %arg9: memref<16xi32, #tpu.memory_space<vmem>>, %arg10: memref<16xi32, #tpu.memory_space<vmem>>, %arg11: memref<16xi32, #tpu.memory_space<vmem>>, %arg12: memref<8x2x1024xf32, #tpu.memory_space<vmem>>, %arg13: memref<8x2x1024xf32, #tpu.memory_space<vmem>>, %arg14: memref<8x2x1024xf32, #tpu.memory_space<vmem>>, %arg15: memref<8x2x1024xf32, #tpu.memory_space<vmem>>, %arg16: memref<16x1024xf32, #tpu.memory_space<vmem>>, %arg17: memref<16x1024xf32, #tpu.memory_space<vmem>>, %arg18: memref<!tpu.dma_semaphore, #tpu.memory_space<semaphore_mem>>, %arg19: memref<!tpu.dma_semaphore, #tpu.memory_space<semaphore_mem>>, %arg20: memref<!tpu.dma_semaphore, #tpu.memory_space<semaphore_mem>>, %arg21: memref<!tpu.dma_semaphore, #tpu.memory_space<semaphore_mem>>, %arg22: memref<!tpu.dma_semaphore, #tpu.memory_space<semaphore_mem>>, %arg23: memref<!tpu.dma_semaphore, #tpu.memory_space<semaphore_mem>>) attributes {dimension_semantics = [#tpu.dimension_semantics<core_parallel>, #tpu.dimension_semantics<subcore_parallel>], iteration_bounds = array<i64: 2, 16>, scalar_prefetch = 0 : i64, scratch_operands = 19 : i64, tpu.core_type = #tpu.core_type<sc_vector_subcore>, window_params = [{transform_indices = #map}, {transform_indices = #map1}, {transform_indices = #map1}]} {
    %mul3A = arith.constant 2 : i32
    %mul3A_0 = arith.muli %arg1, %mul3A : i32
    %add3A = arith.addi %mul3A_0, %arg0 : i32
    %jit3A = arith.constant 8 : i32
    %div3A = arith.divsi %add3A, %jit3A : i32
    %sign3A = arith.constant 0 : i32
    %sign3A_1 = arith.cmpi sgt, %add3A, %sign3A : i32
    %sign3A_2 = arith.extui %sign3A_1 : i1 to i32
    %sign3A_3 = arith.constant 0 : i32
    %sign3A_4 = arith.cmpi slt, %add3A, %sign3A_3 : i32
    %sign3A_5 = arith.extui %sign3A_4 : i1 to i32
    %sign3A_6 = arith.subi %sign3A_2, %sign3A_5 : i32
    %sign3A_7 = arith.constant 0 : i32
    %sign3A_8 = arith.cmpi sgt, %jit3A, %sign3A_7 : i32
    %sign3A_9 = arith.extui %sign3A_8 : i1 to i32
    %sign3A_10 = arith.constant 0 : i32
    %sign3A_11 = arith.cmpi slt, %jit3A, %sign3A_10 : i32
    %sign3A_12 = arith.extui %sign3A_11 : i1 to i32
    %sign3A_13 = arith.subi %sign3A_9, %sign3A_12 : i32
    %ne3A = arith.cmpi ne, %sign3A_6, %sign3A_13 : i32
    %rem3A = arith.remsi %add3A, %jit3A : i32
    %ne3A_14 = arith.constant 0 : i32
    %ne3A_15 = arith.cmpi ne, %rem3A, %ne3A_14 : i32
    %and3A = arith.andi %ne3A, %ne3A_15 : i1
    %sub3A = arith.constant 1 : i32
    %sub3A_16 = arith.subi %div3A, %sub3A : i32
    %select_n3A = arith.select %and3A, %sub3A_16, %div3A : i32
    %and3A_17 = arith.constant 7 : i32
    %and3A_18 = arith.andi %add3A, %and3A_17 : i32
    "tpu.region"() ({
      %run_scoped3A = tpu.sem_alloc : memref<!tpu.dma_semaphore, #tpu.memory_space<semaphore_mem>>
      %dma_start3A_297 = arith.constant 0 : i32
      %dma_start3A_298 = tpu.memref_slice %arg2[%select_n3A, %dma_start3A_297] : memref<4x64xf32, #tpu.memory_space<hbm>> -> memref<1x64xf32, #tpu.memory_space<hbm>>
      %dma_start3A_299 = tpu.memref_squeeze %dma_start3A_298 : memref<1x64xf32, #tpu.memory_space<hbm>> -> memref<64xf32, #tpu.memory_space<hbm>>
      %dma_start3A_300 = arith.constant 0 : i32
      %dma_start3A_301 = tpu.memref_slice %arg2[%select_n3A, %dma_start3A_300] : memref<4x64xf32, #tpu.memory_space<hbm>> -> memref<1x64xf32, #tpu.memory_space<hbm>>
      %dma_start3A_302 = tpu.memref_squeeze %dma_start3A_301 : memref<1x64xf32, #tpu.memory_space<hbm>> -> memref<64xf32, #tpu.memory_space<hbm>>
      tpu.enqueue_dma source(%dma_start3A_302 : memref<64xf32, #tpu.memory_space<hbm>>) target(%arg5 : memref<64xf32, #tpu.memory_space<vmem>>) target_semaphore(%run_scoped3A : memref<!tpu.dma_semaphore, #tpu.memory_space<semaphore_mem>>)
      %dma_wait3A_303 = arith.constant 0 : i32
      %dma_wait3A_304 = tpu.memref_slice %arg2[%select_n3A, %dma_wait3A_303] : memref<4x64xf32, #tpu.memory_space<hbm>> -> memref<1x64xf32, #tpu.memory_space<hbm>>
      %dma_wait3A_305 = tpu.memref_squeeze %dma_wait3A_304 : memref<1x64xf32, #tpu.memory_space<hbm>> -> memref<64xf32, #tpu.memory_space<hbm>>
      %dma_wait3A_306 = arith.constant 0 : i32
      %dma_wait3A_307 = tpu.memref_slice %arg2[%select_n3A, %dma_wait3A_306] : memref<4x64xf32, #tpu.memory_space<hbm>> -> memref<1x64xf32, #tpu.memory_space<hbm>>
      %dma_wait3A_308 = tpu.memref_squeeze %dma_wait3A_307 : memref<1x64xf32, #tpu.memory_space<hbm>> -> memref<64xf32, #tpu.memory_space<hbm>>
      tpu.wait_dma2 semaphore(%run_scoped3A : memref<!tpu.dma_semaphore, #tpu.memory_space<semaphore_mem>>) src(%dma_wait3A_308 : memref<64xf32, #tpu.memory_space<hbm>>) dst(%arg5 : memref<64xf32, #tpu.memory_space<vmem>>)
      tpu.yield
    }) : () -> ()
    %iota3A = tpu.iota {dimensions = array<i32: 0>} : vector<16xi32>
    %get3A = arith.constant 0 : index
    %get3A_19 = tpu.vector_load %arg5[%get3A] {strides = array<i32>} : memref<64xf32, #tpu.memory_space<vmem>>, vector<16xf32>,
    %get3A_20 = arith.constant 16 : index
    %get3A_21 = tpu.vector_load %arg5[%get3A_20] {strides = array<i32>} : memref<64xf32, #tpu.memory_space<vmem>>, vector<16xf32>,
    %get3A_22 = arith.constant 32 : index
    %get3A_23 = tpu.vector_load %arg5[%get3A_22] {strides = array<i32>} : memref<64xf32, #tpu.memory_space<vmem>>, vector<16xf32>,
    %get3A_24 = arith.constant 48 : index
    %get3A_25 = tpu.vector_load %arg5[%get3A_24] {strides = array<i32>} : memref<64xf32, #tpu.memory_space<vmem>>, vector<16xf32>,
    %max3A = arith.maximumf %get3A_19, %get3A_21 : vector<16xf32>
    %max3A_26 = arith.maximumf %max3A, %get3A_23 : vector<16xf32>
    %max3A_27 = arith.maximumf %max3A_26, %get3A_25 : vector<16xf32>
    %swap3A = arith.constant 0 : index
    %swap3A_28 = tpu.vector_load %arg6[%swap3A] {strides = array<i32>} : memref<16xf32, #tpu.memory_space<vmem>>, vector<16xf32>,
    tpu.vector_store %arg6[%swap3A], %max3A_27 {strides = array<i32>} : memref<16xf32, #tpu.memory_space<vmem>>, vector<16xf32>,
    %xor3A = arith.constant 1 : i32
    %xor3A_29 = vector.broadcast %xor3A : i32 to vector<16xi32>
    %xor3A_30 = arith.xori %iota3A, %xor3A_29 : vector<16xi32>
    %gather3A = tpu.vector_load_idx %arg6[%xor3A_30] : memref<16xf32, #tpu.memory_space<vmem>>[vector<16xi32>], vector<16xf32>,
    %max3A_31 = arith.maximumf %max3A_27, %gather3A : vector<16xf32>
    %swap3A_32 = arith.constant 0 : index
    %swap3A_33 = tpu.vector_load %arg6[%swap3A_32] {strides = array<i32>} : memref<16xf32, #tpu.memory_space<vmem>>, vector<16xf32>,
    tpu.vector_store %arg6[%swap3A_32], %max3A_31 {strides = array<i32>} : memref<16xf32, #tpu.memory_space<vmem>>, vector<16xf32>,
    %xor3A_34 = arith.constant 2 : i32
    %xor3A_35 = vector.broadcast %xor3A_34 : i32 to vector<16xi32>
    %xor3A_36 = arith.xori %iota3A, %xor3A_35 : vector<16xi32>
    %gather3A_37 = tpu.vector_load_idx %arg6[%xor3A_36] : memref<16xf32, #tpu.memory_space<vmem>>[vector<16xi32>], vector<16xf32>,
    %max3A_38 = arith.maximumf %max3A_31, %gather3A_37 : vector<16xf32>
    %swap3A_39 = arith.constant 0 : index
    %swap3A_40 = tpu.vector_load %arg6[%swap3A_39] {strides = array<i32>} : memref<16xf32, #tpu.memory_space<vmem>>, vector<16xf32>,
    tpu.vector_store %arg6[%swap3A_39], %max3A_38 {strides = array<i32>} : memref<16xf32, #tpu.memory_space<vmem>>, vector<16xf32>,
    %xor3A_41 = arith.constant 4 : i32
    %xor3A_42 = vector.broadcast %xor3A_41 : i32 to vector<16xi32>
    %xor3A_43 = arith.xori %iota3A, %xor3A_42 : vector<16xi32>
    %gather3A_44 = tpu.vector_load_idx %arg6[%xor3A_43] : memref<16xf32, #tpu.memory_space<vmem>>[vector<16xi32>], vector<16xf32>,
    %max3A_45 = arith.maximumf %max3A_38, %gather3A_44 : vector<16xf32>
    %swap3A_46 = arith.constant 0 : index
    %swap3A_47 = tpu.vector_load %arg6[%swap3A_46] {strides = array<i32>} : memref<16xf32, #tpu.memory_space<vmem>>, vector<16xf32>,
    tpu.vector_store %arg6[%swap3A_46], %max3A_45 {strides = array<i32>} : memref<16xf32, #tpu.memory_space<vmem>>, vector<16xf32>,
    %xor3A_48 = arith.constant 8 : i32
    %xor3A_49 = vector.broadcast %xor3A_48 : i32 to vector<16xi32>
    %xor3A_50 = arith.xori %iota3A, %xor3A_49 : vector<16xi32>
    %gather3A_51 = tpu.vector_load_idx %arg6[%xor3A_50] : memref<16xf32, #tpu.memory_space<vmem>>[vector<16xi32>], vector<16xf32>,
    %max3A_52 = arith.maximumf %max3A_45, %gather3A_51 : vector<16xf32>
    %broadcast_in_dim3A = arith.constant 64 : i32
    %broadcast_in_dim3A_53 = vector.broadcast %broadcast_in_dim3A : i32 to vector<16xi32>
    %eq3A = arith.cmpf oeq, %get3A_19, %max3A_52 : vector<16xf32>
    %add3A_54 = arith.constant 0 : i32
    %add3A_55 = vector.broadcast %add3A_54 : i32 to vector<16xi32>
    %add3A_56 = arith.addi %iota3A, %add3A_55 : vector<16xi32>
    %jit3A_57 = arith.constant 64 : i32
    %broadcast_in_dim3A_58 = vector.broadcast %jit3A_57 : i32 to vector<16xi32>
    %select_n3A_59 = arith.select %eq3A, %add3A_56, %broadcast_in_dim3A_58 : vector<16xi1>, vector<16xi32>
    %min3A = arith.minsi %broadcast_in_dim3A_53, %select_n3A_59 : vector<16xi32>
    %eq3A_60 = arith.cmpf oeq, %get3A_21, %max3A_52 : vector<16xf32>
    %add3A_61 = arith.constant 16 : i32
    %add3A_62 = vector.broadcast %add3A_61 : i32 to vector<16xi32>
    %add3A_63 = arith.addi %iota3A, %add3A_62 : vector<16xi32>
    %jit3A_64 = arith.constant 64 : i32
    %broadcast_in_dim3A_65 = vector.broadcast %jit3A_64 : i32 to vector<16xi32>
    %select_n3A_66 = arith.select %eq3A_60, %add3A_63, %broadcast_in_dim3A_65 : vector<16xi1>, vector<16xi32>
    %min3A_67 = arith.minsi %min3A, %select_n3A_66 : vector<16xi32>
    %eq3A_68 = arith.cmpf oeq, %get3A_23, %max3A_52 : vector<16xf32>
    %add3A_69 = arith.constant 32 : i32
    %add3A_70 = vector.broadcast %add3A_69 : i32 to vector<16xi32>
    %add3A_71 = arith.addi %iota3A, %add3A_70 : vector<16xi32>
    %jit3A_72 = arith.constant 64 : i32
    %broadcast_in_dim3A_73 = vector.broadcast %jit3A_72 : i32 to vector<16xi32>
    %select_n3A_74 = arith.select %eq3A_68, %add3A_71, %broadcast_in_dim3A_73 : vector<16xi1>, vector<16xi32>
    %min3A_75 = arith.minsi %min3A_67, %select_n3A_74 : vector<16xi32>
    %eq3A_76 = arith.cmpf oeq, %get3A_25, %max3A_52 : vector<16xf32>
    %add3A_77 = arith.constant 48 : i32
    %add3A_78 = vector.broadcast %add3A_77 : i32 to vector<16xi32>
    %add3A_79 = arith.addi %iota3A, %add3A_78 : vector<16xi32>
    %jit3A_80 = arith.constant 64 : i32
    %broadcast_in_dim3A_81 = vector.broadcast %jit3A_80 : i32 to vector<16xi32>
    %select_n3A_82 = arith.select %eq3A_76, %add3A_79, %broadcast_in_dim3A_81 : vector<16xi1>, vector<16xi32>
    %min3A_83 = arith.minsi %min3A_75, %select_n3A_82 : vector<16xi32>
    %swap3A_84 = arith.constant 0 : index
    %swap3A_85 = tpu.vector_load %arg7[%swap3A_84] {strides = array<i32>} : memref<16xi32, #tpu.memory_space<vmem>>, vector<16xi32>,
    tpu.vector_store %arg7[%swap3A_84], %min3A_83 {strides = array<i32>} : memref<16xi32, #tpu.memory_space<vmem>>, vector<16xi32>,
    %xor3A_86 = arith.constant 1 : i32
    %xor3A_87 = vector.broadcast %xor3A_86 : i32 to vector<16xi32>
    %xor3A_88 = arith.xori %iota3A, %xor3A_87 : vector<16xi32>
    %gather3A_89 = tpu.vector_load_idx %arg7[%xor3A_88] : memref<16xi32, #tpu.memory_space<vmem>>[vector<16xi32>], vector<16xi32>,
    %min3A_90 = arith.minsi %min3A_83, %gather3A_89 : vector<16xi32>
    %swap3A_91 = arith.constant 0 : index
    %swap3A_92 = tpu.vector_load %arg7[%swap3A_91] {strides = array<i32>} : memref<16xi32, #tpu.memory_space<vmem>>, vector<16xi32>,
    tpu.vector_store %arg7[%swap3A_91], %min3A_90 {strides = array<i32>} : memref<16xi32, #tpu.memory_space<vmem>>, vector<16xi32>,
    %xor3A_93 = arith.constant 2 : i32
    %xor3A_94 = vector.broadcast %xor3A_93 : i32 to vector<16xi32>
    %xor3A_95 = arith.xori %iota3A, %xor3A_94 : vector<16xi32>
    %gather3A_96 = tpu.vector_load_idx %arg7[%xor3A_95] : memref<16xi32, #tpu.memory_space<vmem>>[vector<16xi32>], vector<16xi32>,
    %min3A_97 = arith.minsi %min3A_90, %gather3A_96 : vector<16xi32>
    %swap3A_98 = arith.constant 0 : index
    %swap3A_99 = tpu.vector_load %arg7[%swap3A_98] {strides = array<i32>} : memref<16xi32, #tpu.memory_space<vmem>>, vector<16xi32>,
    tpu.vector_store %arg7[%swap3A_98], %min3A_97 {strides = array<i32>} : memref<16xi32, #tpu.memory_space<vmem>>, vector<16xi32>,
    %xor3A_100 = arith.constant 4 : i32
    %xor3A_101 = vector.broadcast %xor3A_100 : i32 to vector<16xi32>
    %xor3A_102 = arith.xori %iota3A, %xor3A_101 : vector<16xi32>
    %gather3A_103 = tpu.vector_load_idx %arg7[%xor3A_102] : memref<16xi32, #tpu.memory_space<vmem>>[vector<16xi32>], vector<16xi32>,
    %min3A_104 = arith.minsi %min3A_97, %gather3A_103 : vector<16xi32>
    %swap3A_105 = arith.constant 0 : index
    %swap3A_106 = tpu.vector_load %arg7[%swap3A_105] {strides = array<i32>} : memref<16xi32, #tpu.memory_space<vmem>>, vector<16xi32>,
    tpu.vector_store %arg7[%swap3A_105], %min3A_104 {strides = array<i32>} : memref<16xi32, #tpu.memory_space<vmem>>, vector<16xi32>,
    %xor3A_107 = arith.constant 8 : i32
    %xor3A_108 = vector.broadcast %xor3A_107 : i32 to vector<16xi32>
    %xor3A_109 = arith.xori %iota3A, %xor3A_108 : vector<16xi32>
    %gather3A_110 = tpu.vector_load_idx %arg7[%xor3A_109] : memref<16xi32, #tpu.memory_space<vmem>>[vector<16xi32>], vector<16xi32>,
    %min3A_111 = arith.minsi %min3A_104, %gather3A_110 : vector<16xi32>
    %add3A_112 = arith.constant 0 : i32
    %add3A_113 = vector.broadcast %add3A_112 : i32 to vector<16xi32>
    %add3A_114 = arith.addi %iota3A, %add3A_113 : vector<16xi32>
    %eq3A_115 = arith.cmpi eq, %add3A_114, %min3A_111 : vector<16xi32>
    %jit3A_116 = arith.constant 0xFF800000 : f32
    %broadcast_in_dim3A_117 = vector.broadcast %jit3A_116 : f32 to vector<16xf32>
    %select_n3A_118 = arith.select %eq3A_115, %broadcast_in_dim3A_117, %get3A_19 : vector<16xi1>, vector<16xf32>
    %add3A_119 = arith.constant 16 : i32
    %add3A_120 = vector.broadcast %add3A_119 : i32 to vector<16xi32>
    %add3A_121 = arith.addi %iota3A, %add3A_120 : vector<16xi32>
    %eq3A_122 = arith.cmpi eq, %add3A_121, %min3A_111 : vector<16xi32>
    %jit3A_123 = arith.constant 0xFF800000 : f32
    %broadcast_in_dim3A_124 = vector.broadcast %jit3A_123 : f32 to vector<16xf32>
    %select_n3A_125 = arith.select %eq3A_122, %broadcast_in_dim3A_124, %get3A_21 : vector<16xi1>, vector<16xf32>
    %add3A_126 = arith.constant 32 : i32
    %add3A_127 = vector.broadcast %add3A_126 : i32 to vector<16xi32>
    %add3A_128 = arith.addi %iota3A, %add3A_127 : vector<16xi32>
    %eq3A_129 = arith.cmpi eq, %add3A_128, %min3A_111 : vector<16xi32>
    %jit3A_130 = arith.constant 0xFF800000 : f32
    %broadcast_in_dim3A_131 = vector.broadcast %jit3A_130 : f32 to vector<16xf32>
    %select_n3A_132 = arith.select %eq3A_129, %broadcast_in_dim3A_131, %get3A_23 : vector<16xi1>, vector<16xf32>
    %add3A_133 = arith.constant 48 : i32
    %add3A_134 = vector.broadcast %add3A_133 : i32 to vector<16xi32>
    %add3A_135 = arith.addi %iota3A, %add3A_134 : vector<16xi32>
    %eq3A_136 = arith.cmpi eq, %add3A_135, %min3A_111 : vector<16xi32>
    %jit3A_137 = arith.constant 0xFF800000 : f32
    %broadcast_in_dim3A_138 = vector.broadcast %jit3A_137 : f32 to vector<16xf32>
    %select_n3A_139 = arith.select %eq3A_136, %broadcast_in_dim3A_138, %get3A_25 : vector<16xi1>, vector<16xf32>
    %max3A_140 = arith.maximumf %select_n3A_118, %select_n3A_125 : vector<16xf32>
    %max3A_141 = arith.maximumf %max3A_140, %select_n3A_132 : vector<16xf32>
    %max3A_142 = arith.maximumf %max3A_141, %select_n3A_139 : vector<16xf32>
    %swap3A_143 = arith.constant 0 : index
    %swap3A_144 = tpu.vector_load %arg6[%swap3A_143] {strides = array<i32>} : memref<16xf32, #tpu.memory_space<vmem>>, vector<16xf32>,
    tpu.vector_store %arg6[%swap3A_143], %max3A_142 {strides = array<i32>} : memref<16xf32, #tpu.memory_space<vmem>>, vector<16xf32>,
    %xor3A_145 = arith.constant 1 : i32
    %xor3A_146 = vector.broadcast %xor3A_145 : i32 to vector<16xi32>
    %xor3A_147 = arith.xori %iota3A, %xor3A_146 : vector<16xi32>
    %gather3A_148 = tpu.vector_load_idx %arg6[%xor3A_147] : memref<16xf32, #tpu.memory_space<vmem>>[vector<16xi32>], vector<16xf32>,
    %max3A_149 = arith.maximumf %max3A_142, %gather3A_148 : vector<16xf32>
    %swap3A_150 = arith.constant 0 : index
    %swap3A_151 = tpu.vector_load %arg6[%swap3A_150] {strides = array<i32>} : memref<16xf32, #tpu.memory_space<vmem>>, vector<16xf32>,
    tpu.vector_store %arg6[%swap3A_150], %max3A_149 {strides = array<i32>} : memref<16xf32, #tpu.memory_space<vmem>>, vector<16xf32>,
    %xor3A_152 = arith.constant 2 : i32
    %xor3A_153 = vector.broadcast %xor3A_152 : i32 to vector<16xi32>
    %xor3A_154 = arith.xori %iota3A, %xor3A_153 : vector<16xi32>
    %gather3A_155 = tpu.vector_load_idx %arg6[%xor3A_154] : memref<16xf32, #tpu.memory_space<vmem>>[vector<16xi32>], vector<16xf32>,
    %max3A_156 = arith.maximumf %max3A_149, %gather3A_155 : vector<16xf32>
    %swap3A_157 = arith.constant 0 : index
    %swap3A_158 = tpu.vector_load %arg6[%swap3A_157] {strides = array<i32>} : memref<16xf32, #tpu.memory_space<vmem>>, vector<16xf32>,
    tpu.vector_store %arg6[%swap3A_157], %max3A_156 {strides = array<i32>} : memref<16xf32, #tpu.memory_space<vmem>>, vector<16xf32>,
    %xor3A_159 = arith.constant 4 : i32
    %xor3A_160 = vector.broadcast %xor3A_159 : i32 to vector<16xi32>
    %xor3A_161 = arith.xori %iota3A, %xor3A_160 : vector<16xi32>
    %gather3A_162 = tpu.vector_load_idx %arg6[%xor3A_161] : memref<16xf32, #tpu.memory_space<vmem>>[vector<16xi32>], vector<16xf32>,
    %max3A_163 = arith.maximumf %max3A_156, %gather3A_162 : vector<16xf32>
    %swap3A_164 = arith.constant 0 : index
    %swap3A_165 = tpu.vector_load %arg6[%swap3A_164] {strides = array<i32>} : memref<16xf32, #tpu.memory_space<vmem>>, vector<16xf32>,
    tpu.vector_store %arg6[%swap3A_164], %max3A_163 {strides = array<i32>} : memref<16xf32, #tpu.memory_space<vmem>>, vector<16xf32>,
    %xor3A_166 = arith.constant 8 : i32
    %xor3A_167 = vector.broadcast %xor3A_166 : i32 to vector<16xi32>
    %xor3A_168 = arith.xori %iota3A, %xor3A_167 : vector<16xi32>
    %gather3A_169 = tpu.vector_load_idx %arg6[%xor3A_168] : memref<16xf32, #tpu.memory_space<vmem>>[vector<16xi32>], vector<16xf32>,
    %max3A_170 = arith.maximumf %max3A_163, %gather3A_169 : vector<16xf32>
    %broadcast_in_dim3A_171 = arith.constant 64 : i32
    %broadcast_in_dim3A_172 = vector.broadcast %broadcast_in_dim3A_171 : i32 to vector<16xi32>
    %eq3A_173 = arith.cmpf oeq, %select_n3A_118, %max3A_170 : vector<16xf32>
    %add3A_174 = arith.constant 0 : i32
    %add3A_175 = vector.broadcast %add3A_174 : i32 to vector<16xi32>
    %add3A_176 = arith.addi %iota3A, %add3A_175 : vector<16xi32>
    %jit3A_177 = arith.constant 64 : i32
    %broadcast_in_dim3A_178 = vector.broadcast %jit3A_177 : i32 to vector<16xi32>
    %select_n3A_179 = arith.select %eq3A_173, %add3A_176, %broadcast_in_dim3A_178 : vector<16xi1>, vector<16xi32>
    %min3A_180 = arith.minsi %broadcast_in_dim3A_172, %select_n3A_179 : vector<16xi32>
    %eq3A_181 = arith.cmpf oeq, %select_n3A_125, %max3A_170 : vector<16xf32>
    %add3A_182 = arith.constant 16 : i32
    %add3A_183 = vector.broadcast %add3A_182 : i32 to vector<16xi32>
    %add3A_184 = arith.addi %iota3A, %add3A_183 : vector<16xi32>
    %jit3A_185 = arith.constant 64 : i32
    %broadcast_in_dim3A_186 = vector.broadcast %jit3A_185 : i32 to vector<16xi32>
    %select_n3A_187 = arith.select %eq3A_181, %add3A_184, %broadcast_in_dim3A_186 : vector<16xi1>, vector<16xi32>
    %min3A_188 = arith.minsi %min3A_180, %select_n3A_187 : vector<16xi32>
    %eq3A_189 = arith.cmpf oeq, %select_n3A_132, %max3A_170 : vector<16xf32>
    %add3A_190 = arith.constant 32 : i32
    %add3A_191 = vector.broadcast %add3A_190 : i32 to vector<16xi32>
    %add3A_192 = arith.addi %iota3A, %add3A_191 : vector<16xi32>
    %jit3A_193 = arith.constant 64 : i32
    %broadcast_in_dim3A_194 = vector.broadcast %jit3A_193 : i32 to vector<16xi32>
    %select_n3A_195 = arith.select %eq3A_189, %add3A_192, %broadcast_in_dim3A_194 : vector<16xi1>, vector<16xi32>
    %min3A_196 = arith.minsi %min3A_188, %select_n3A_195 : vector<16xi32>
    %eq3A_197 = arith.cmpf oeq, %select_n3A_139, %max3A_170 : vector<16xf32>
    %add3A_198 = arith.constant 48 : i32
    %add3A_199 = vector.broadcast %add3A_198 : i32 to vector<16xi32>
    %add3A_200 = arith.addi %iota3A, %add3A_199 : vector<16xi32>
    %jit3A_201 = arith.constant 64 : i32
    %broadcast_in_dim3A_202 = vector.broadcast %jit3A_201 : i32 to vector<16xi32>
    %select_n3A_203 = arith.select %eq3A_197, %add3A_200, %broadcast_in_dim3A_202 : vector<16xi1>, vector<16xi32>
    %min3A_204 = arith.minsi %min3A_196, %select_n3A_203 : vector<16xi32>
    %swap3A_205 = arith.constant 0 : index
    %swap3A_206 = tpu.vector_load %arg7[%swap3A_205] {strides = array<i32>} : memref<16xi32, #tpu.memory_space<vmem>>, vector<16xi32>,
    tpu.vector_store %arg7[%swap3A_205], %min3A_204 {strides = array<i32>} : memref<16xi32, #tpu.memory_space<vmem>>, vector<16xi32>,
    %xor3A_207 = arith.constant 1 : i32
    %xor3A_208 = vector.broadcast %xor3A_207 : i32 to vector<16xi32>
    %xor3A_209 = arith.xori %iota3A, %xor3A_208 : vector<16xi32>
    %gather3A_210 = tpu.vector_load_idx %arg7[%xor3A_209] : memref<16xi32, #tpu.memory_space<vmem>>[vector<16xi32>], vector<16xi32>,
    %min3A_211 = arith.minsi %min3A_204, %gather3A_210 : vector<16xi32>
    %swap3A_212 = arith.constant 0 : index
    %swap3A_213 = tpu.vector_load %arg7[%swap3A_212] {strides = array<i32>} : memref<16xi32, #tpu.memory_space<vmem>>, vector<16xi32>,
    tpu.vector_store %arg7[%swap3A_212], %min3A_211 {strides = array<i32>} : memref<16xi32, #tpu.memory_space<vmem>>, vector<16xi32>,
    %xor3A_214 = arith.constant 2 : i32
    %xor3A_215 = vector.broadcast %xor3A_214 : i32 to vector<16xi32>
    %xor3A_216 = arith.xori %iota3A, %xor3A_215 : vector<16xi32>
    %gather3A_217 = tpu.vector_load_idx %arg7[%xor3A_216] : memref<16xi32, #tpu.memory_space<vmem>>[vector<16xi32>], vector<16xi32>,
    %min3A_218 = arith.minsi %min3A_211, %gather3A_217 : vector<16xi32>
    %swap3A_219 = arith.constant 0 : index
    %swap3A_220 = tpu.vector_load %arg7[%swap3A_219] {strides = array<i32>} : memref<16xi32, #tpu.memory_space<vmem>>, vector<16xi32>,
    tpu.vector_store %arg7[%swap3A_219], %min3A_218 {strides = array<i32>} : memref<16xi32, #tpu.memory_space<vmem>>, vector<16xi32>,
    %xor3A_221 = arith.constant 4 : i32
    %xor3A_222 = vector.broadcast %xor3A_221 : i32 to vector<16xi32>
    %xor3A_223 = arith.xori %iota3A, %xor3A_222 : vector<16xi32>
    %gather3A_224 = tpu.vector_load_idx %arg7[%xor3A_223] : memref<16xi32, #tpu.memory_space<vmem>>[vector<16xi32>], vector<16xi32>,
    %min3A_225 = arith.minsi %min3A_218, %gather3A_224 : vector<16xi32>
    %swap3A_226 = arith.constant 0 : index
    %swap3A_227 = tpu.vector_load %arg7[%swap3A_226] {strides = array<i32>} : memref<16xi32, #tpu.memory_space<vmem>>, vector<16xi32>,
    tpu.vector_store %arg7[%swap3A_226], %min3A_225 {strides = array<i32>} : memref<16xi32, #tpu.memory_space<vmem>>, vector<16xi32>,
    %xor3A_228 = arith.constant 8 : i32
    %xor3A_229 = vector.broadcast %xor3A_228 : i32 to vector<16xi32>
    %xor3A_230 = arith.xori %iota3A, %xor3A_229 : vector<16xi32>
    %gather3A_231 = tpu.vector_load_idx %arg7[%xor3A_230] : memref<16xi32, #tpu.memory_space<vmem>>[vector<16xi32>], vector<16xi32>,
    %min3A_232 = arith.minsi %min3A_225, %gather3A_231 : vector<16xi32>
    %sub3A_233 = arith.subf %max3A_170, %max3A_52 : vector<16xf32>
    %exp3A = math.exp %sub3A_233 : vector<16xf32>
    %add3A_234 = arith.constant 1.000000e+00 : f32
    %add3A_235 = vector.broadcast %add3A_234 : f32 to vector<16xf32>
    %add3A_236 = arith.addf %add3A_235, %exp3A : vector<16xf32>
    %div3A_237 = arith.constant 1.000000e+00 : f32
    %div3A_238 = vector.broadcast %div3A_237 : f32 to vector<16xf32>
    %div3A_239 = arith.divf %div3A_238, %add3A_236 : vector<16xf32>
    %mul3A_240 = arith.mulf %exp3A, %div3A_239 : vector<16xf32>
    %mul3A_241 = arith.constant 512 : i32
    %mul3A_242 = vector.broadcast %mul3A_241 : i32 to vector<16xi32>
    %mul3A_243 = arith.muli %min3A_111, %mul3A_242 : vector<16xi32>
    %mul3A_244 = arith.constant 64 : i32
    %mul3A_245 = arith.muli %and3A_18, %mul3A_244 : i32
    %add3A_246 = vector.broadcast %mul3A_245 : i32 to vector<16xi32>
    %add3A_247 = arith.addi %mul3A_243, %add3A_246 : vector<16xi32>
    %add3A_248 = arith.addi %add3A_247, %iota3A : vector<16xi32>
    %mul3A_249 = arith.constant 512 : i32
    %mul3A_250 = vector.broadcast %mul3A_249 : i32 to vector<16xi32>
    %mul3A_251 = arith.muli %min3A_232, %mul3A_250 : vector<16xi32>
    %mul3A_252 = arith.constant 64 : i32
    %mul3A_253 = arith.muli %and3A_18, %mul3A_252 : i32
    %add3A_254 = vector.broadcast %mul3A_253 : i32 to vector<16xi32>
    %add3A_255 = arith.addi %mul3A_251, %add3A_254 : vector<16xi32>
    %add3A_256 = arith.addi %add3A_255, %iota3A : vector<16xi32>
    %mul3A_257 = arith.constant 128 : i32
    %mul3A_258 = arith.muli %and3A_18, %mul3A_257 : i32
    %add3A_259 = arith.constant 0 : i32
    %add3A_260 = vector.broadcast %add3A_259 : i32 to vector<16xi32>
    %add3A_261 = arith.addi %add3A_248, %add3A_260 : vector<16xi32>
    %swap3A_262 = arith.constant 0 : index
    %swap3A_263 = tpu.vector_load %arg8[%swap3A_262] {strides = array<i32>} : memref<16xi32, #tpu.memory_space<vmem>>, vector<16xi32>,
    tpu.vector_store %arg8[%swap3A_262], %add3A_261 {strides = array<i32>} : memref<16xi32, #tpu.memory_space<vmem>>, vector<16xi32>,
    %add3A_264 = arith.constant 0 : i32
    %add3A_265 = vector.broadcast %add3A_264 : i32 to vector<16xi32>
    %add3A_266 = arith.addi %add3A_256, %add3A_265 : vector<16xi32>
    %swap3A_267 = arith.constant 0 : index
    %swap3A_268 = tpu.vector_load %arg10[%swap3A_267] {strides = array<i32>} : memref<16xi32, #tpu.memory_space<vmem>>, vector<16xi32>,
    tpu.vector_store %arg10[%swap3A_267], %add3A_266 {strides = array<i32>} : memref<16xi32, #tpu.memory_space<vmem>>, vector<16xi32>,
    %dma_start3A = arith.constant 0 : i32
    %dma_start3A_269 = tpu.memref_slice %arg8[%dma_start3A] : memref<16xi32, #tpu.memory_space<vmem>> -> memref<8xi32, #tpu.memory_space<vmem>>
    %dma_start3A_270 = arith.constant 0 : i32
    %dma_start3A_271 = arith.constant 0 : i32
    %dma_start3A_272 = arith.constant 0 : i32
    %dma_start3A_273 = tpu.memref_slice %arg3[%dma_start3A_270, %dma_start3A_271, %dma_start3A_272] : memref<32768x2x1024xf32, #tpu.memory_space<hbm>> -> memref<32768x2x1024xf32, #tpu.memory_space<hbm>>
    tpu.enqueue_indirect_dma source(%dma_start3A_273 : memref<32768x2x1024xf32, #tpu.memory_space<hbm>>) target(%arg12 : memref<8x2x1024xf32, #tpu.memory_space<vmem>>) offsets(%dma_start3A_269 : memref<8xi32, #tpu.memory_space<vmem>>) semaphore(%arg18 : memref<!tpu.dma_semaphore, #tpu.memory_space<semaphore_mem>>)
    %dma_start3A_274 = arith.constant 0 : i32
    %dma_start3A_275 = tpu.memref_slice %arg10[%dma_start3A_274] : memref<16xi32, #tpu.memory_space<vmem>> -> memref<8xi32, #tpu.memory_space<vmem>>
    %dma_start3A_276 = arith.constant 0 : i32
    %dma_start3A_277 = arith.constant 0 : i32
    %dma_start3A_278 = arith.constant 0 : i32
    %dma_start3A_279 = tpu.memref_slice %arg3[%dma_start3A_276, %dma_start3A_277, %dma_start3A_278] : memref<32768x2x1024xf32, #tpu.memory_space<hbm>> -> memref<32768x2x1024xf32, #tpu.memory_space<hbm>>
    tpu.enqueue_indirect_dma source(%dma_start3A_279 : memref<32768x2x1024xf32, #tpu.memory_space<hbm>>) target(%arg14 : memref<8x2x1024xf32, #tpu.memory_space<vmem>>) offsets(%dma_start3A_275 : memref<8xi32, #tpu.memory_space<vmem>>) semaphore(%arg20 : memref<!tpu.dma_semaphore, #tpu.memory_space<semaphore_mem>>)
    %scan3A = arith.constant 0 : i32
    %scan3A_280 = arith.constant 0 : i32
    %scan3A_281 = arith.constant 4 : i32
    %scan3A_282 = arith.addi %scan3A_280, %scan3A_281 : i32
    %scan3A_283 = arith.constant 1 : i32
    %scan3A_284 = scf.for %scan3A_297 = %scan3A_280 to %scan3A_282 step %scan3A_283 iter_args(%scan3A_298 = %scan3A) -> (i32)  : i32 {
      %mul3A_299 = arith.constant 2 : i32
      %mul3A_300 = arith.muli %scan3A_297, %mul3A_299 : i32
      %dma_wait3A_301 = arith.constant 0 : i32
      %dma_wait3A_302 = tpu.memref_slice %arg8[%dma_wait3A_301] : memref<16xi32, #tpu.memory_space<vmem>> -> memref<8xi32, #tpu.memory_space<vmem>>
      %dma_wait3A_303 = arith.constant 0 : i32
      %dma_wait3A_304 = arith.constant 0 : i32
      %dma_wait3A_305 = arith.constant 0 : i32
      %dma_wait3A_306 = tpu.memref_slice %arg3[%dma_wait3A_303, %dma_wait3A_304, %dma_wait3A_305] : memref<32768x2x1024xf32, #tpu.memory_space<hbm>> -> memref<32768x2x1024xf32, #tpu.memory_space<hbm>>
      tpu.wait_indirect_dma semaphore(%arg18 : memref<!tpu.dma_semaphore, #tpu.memory_space<semaphore_mem>>) src(%dma_wait3A_306 : memref<32768x2x1024xf32, #tpu.memory_space<hbm>>) dst(%arg12 : memref<8x2x1024xf32, #tpu.memory_space<vmem>>)
      %dma_wait3A_307 = arith.constant 0 : i32
      %dma_wait3A_308 = tpu.memref_slice %arg10[%dma_wait3A_307] : memref<16xi32, #tpu.memory_space<vmem>> -> memref<8xi32, #tpu.memory_space<vmem>>
      %dma_wait3A_309 = arith.constant 0 : i32
      %dma_wait3A_310 = arith.constant 0 : i32
      %dma_wait3A_311 = arith.constant 0 : i32
      %dma_wait3A_312 = tpu.memref_slice %arg3[%dma_wait3A_309, %dma_wait3A_310, %dma_wait3A_311] : memref<32768x2x1024xf32, #tpu.memory_space<hbm>> -> memref<32768x2x1024xf32, #tpu.memory_space<hbm>>
      tpu.wait_indirect_dma semaphore(%arg20 : memref<!tpu.dma_semaphore, #tpu.memory_space<semaphore_mem>>) src(%dma_wait3A_312 : memref<32768x2x1024xf32, #tpu.memory_space<hbm>>) dst(%arg14 : memref<8x2x1024xf32, #tpu.memory_space<vmem>>)
      %add3A_313 = arith.constant 1 : i32
      %add3A_314 = arith.addi %mul3A_300, %add3A_313 : i32
      %mul3A_315 = arith.constant 8 : i32
      %mul3A_316 = arith.muli %add3A_314, %mul3A_315 : i32
      %add3A_317 = vector.broadcast %mul3A_316 : i32 to vector<16xi32>
      %add3A_318 = arith.addi %add3A_248, %add3A_317 : vector<16xi32>
      %swap3A_319 = arith.constant 0 : index
      %swap3A_320 = tpu.vector_load %arg9[%swap3A_319] {strides = array<i32>} : memref<16xi32, #tpu.memory_space<vmem>>, vector<16xi32>,
      tpu.vector_store %arg9[%swap3A_319], %add3A_318 {strides = array<i32>} : memref<16xi32, #tpu.memory_space<vmem>>, vector<16xi32>,
      %mul3A_321 = arith.constant 8 : i32
      %mul3A_322 = arith.muli %add3A_314, %mul3A_321 : i32
      %add3A_323 = vector.broadcast %mul3A_322 : i32 to vector<16xi32>
      %add3A_324 = arith.addi %add3A_256, %add3A_323 : vector<16xi32>
      %swap3A_325 = arith.constant 0 : index
      %swap3A_326 = tpu.vector_load %arg11[%swap3A_325] {strides = array<i32>} : memref<16xi32, #tpu.memory_space<vmem>>, vector<16xi32>,
      tpu.vector_store %arg11[%swap3A_325], %add3A_324 {strides = array<i32>} : memref<16xi32, #tpu.memory_space<vmem>>, vector<16xi32>,
      %dma_start3A_327 = arith.constant 0 : i32
      %dma_start3A_328 = tpu.memref_slice %arg9[%dma_start3A_327] : memref<16xi32, #tpu.memory_space<vmem>> -> memref<8xi32, #tpu.memory_space<vmem>>
      %dma_start3A_329 = arith.constant 0 : i32
      %dma_start3A_330 = arith.constant 0 : i32
      %dma_start3A_331 = arith.constant 0 : i32
      %dma_start3A_332 = tpu.memref_slice %arg3[%dma_start3A_329, %dma_start3A_330, %dma_start3A_331] : memref<32768x2x1024xf32, #tpu.memory_space<hbm>> -> memref<32768x2x1024xf32, #tpu.memory_space<hbm>>
      tpu.enqueue_indirect_dma source(%dma_start3A_332 : memref<32768x2x1024xf32, #tpu.memory_space<hbm>>) target(%arg13 : memref<8x2x1024xf32, #tpu.memory_space<vmem>>) offsets(%dma_start3A_328 : memref<8xi32, #tpu.memory_space<vmem>>) semaphore(%arg19 : memref<!tpu.dma_semaphore, #tpu.memory_space<semaphore_mem>>)
      %dma_start3A_333 = arith.constant 0 : i32
      %dma_start3A_334 = tpu.memref_slice %arg11[%dma_start3A_333] : memref<16xi32, #tpu.memory_space<vmem>> -> memref<8xi32, #tpu.memory_space<vmem>>
      %dma_start3A_335 = arith.constant 0 : i32
      %dma_start3A_336 = arith.constant 0 : i32
      %dma_start3A_337 = arith.constant 0 : i32
      %dma_start3A_338 = tpu.memref_slice %arg3[%dma_start3A_335, %dma_start3A_336, %dma_start3A_337] : memref<32768x2x1024xf32, #tpu.memory_space<hbm>> -> memref<32768x2x1024xf32, #tpu.memory_space<hbm>>
      tpu.enqueue_indirect_dma source(%dma_start3A_338 : memref<32768x2x1024xf32, #tpu.memory_space<hbm>>) target(%arg15 : memref<8x2x1024xf32, #tpu.memory_space<vmem>>) offsets(%dma_start3A_334 : memref<8xi32, #tpu.memory_space<vmem>>) semaphore(%arg21 : memref<!tpu.dma_semaphore, #tpu.memory_space<semaphore_mem>>)
      %gt3A = arith.constant 0 : i32
      %gt3A_339 = arith.cmpi sgt, %scan3A_297, %gt3A : i32
      %convert_element_type3A = arith.extui %gt3A_339 : i1 to i32
      %cond3A = arith.constant 0 : i32
      %cond3A_340 = arith.cmpi ne, %convert_element_type3A, %cond3A : i32
      scf.if %cond3A_340 {
        %dma_wait3A_388 = arith.constant 0 : i32
        %dma_wait3A_389 = tpu.memref_slice %arg4[%select_n3A, %mul3A_258, %dma_wait3A_388] : memref<4x1024x1024xf32, #tpu.memory_space<hbm>> -> memref<1x16x1024xf32, #tpu.memory_space<hbm>>
        %dma_wait3A_390 = tpu.memref_squeeze %dma_wait3A_389 : memref<1x16x1024xf32, #tpu.memory_space<hbm>> -> memref<16x1024xf32, #tpu.memory_space<hbm>>
        %dma_wait3A_391 = arith.constant 0 : i32
        %dma_wait3A_392 = tpu.memref_slice %arg4[%select_n3A, %mul3A_258, %dma_wait3A_391] : memref<4x1024x1024xf32, #tpu.memory_space<hbm>> -> memref<1x16x1024xf32, #tpu.memory_space<hbm>>
        %dma_wait3A_393 = tpu.memref_squeeze %dma_wait3A_392 : memref<1x16x1024xf32, #tpu.memory_space<hbm>> -> memref<16x1024xf32, #tpu.memory_space<hbm>>
        tpu.wait_dma2 semaphore(%arg22 : memref<!tpu.dma_semaphore, #tpu.memory_space<semaphore_mem>>) src(%arg16 : memref<16x1024xf32, #tpu.memory_space<vmem>>) dst(%dma_wait3A_393 : memref<16x1024xf32, #tpu.memory_space<hbm>>)
      } else {
      }
      %parallel_loop3A = arith.constant 0 : i32
      %parallel_loop3A_341 = arith.constant 1024 : i32
      %parallel_loop3A_342 = arith.constant 1 : i32
      scf.for %parallel_loop3A_388 = %parallel_loop3A to %parallel_loop3A_341 step %parallel_loop3A_342  : i32 {
        %parallel_loop3A_389 = arith.constant 128 : i32
        %parallel_loop3A_390 = arith.divsi %parallel_loop3A_388, %parallel_loop3A_389 : i32
        %parallel_loop3A_391 = arith.constant 0 : i32
        %parallel_loop3A_392 = arith.cmpi sgt, %parallel_loop3A_388, %parallel_loop3A_391 : i32
        %parallel_loop3A_393 = arith.extui %parallel_loop3A_392 : i1 to i32
        %parallel_loop3A_394 = arith.constant 0 : i32
        %parallel_loop3A_395 = arith.cmpi slt, %parallel_loop3A_388, %parallel_loop3A_394 : i32
        %parallel_loop3A_396 = arith.extui %parallel_loop3A_395 : i1 to i32
        %parallel_loop3A_397 = arith.subi %parallel_loop3A_393, %parallel_loop3A_396 : i32
        %parallel_loop3A_398 = arith.constant 0 : i32
        %parallel_loop3A_399 = arith.cmpi sgt, %parallel_loop3A_389, %parallel_loop3A_398 : i32
        %parallel_loop3A_400 = arith.extui %parallel_loop3A_399 : i1 to i32
        %parallel_loop3A_401 = arith.constant 0 : i32
        %parallel_loop3A_402 = arith.cmpi slt, %parallel_loop3A_389, %parallel_loop3A_401 : i32
        %parallel_loop3A_403 = arith.extui %parallel_loop3A_402 : i1 to i32
        %parallel_loop3A_404 = arith.subi %parallel_loop3A_400, %parallel_loop3A_403 : i32
        %parallel_loop3A_405 = arith.cmpi ne, %parallel_loop3A_397, %parallel_loop3A_404 : i32
        %parallel_loop3A_406 = arith.remsi %parallel_loop3A_388, %parallel_loop3A_389 : i32
        %parallel_loop3A_407 = arith.constant 0 : i32
        %parallel_loop3A_408 = arith.cmpi ne, %parallel_loop3A_406, %parallel_loop3A_407 : i32
        %parallel_loop3A_409 = arith.andi %parallel_loop3A_405, %parallel_loop3A_408 : i1
        %parallel_loop3A_410 = arith.constant 1 : i32
        %parallel_loop3A_411 = arith.subi %parallel_loop3A_390, %parallel_loop3A_410 : i32
        %parallel_loop3A_412 = arith.select %parallel_loop3A_409, %parallel_loop3A_411, %parallel_loop3A_390 : i32
        %parallel_loop3A_413 = arith.constant 64 : i32
        %parallel_loop3A_414 = arith.divsi %parallel_loop3A_388, %parallel_loop3A_413 : i32
        %parallel_loop3A_415 = arith.constant 0 : i32
        %parallel_loop3A_416 = arith.cmpi sgt, %parallel_loop3A_388, %parallel_loop3A_415 : i32
        %parallel_loop3A_417 = arith.extui %parallel_loop3A_416 : i1 to i32
        %parallel_loop3A_418 = arith.constant 0 : i32
        %parallel_loop3A_419 = arith.cmpi slt, %parallel_loop3A_388, %parallel_loop3A_418 : i32
        %parallel_loop3A_420 = arith.extui %parallel_loop3A_419 : i1 to i32
        %parallel_loop3A_421 = arith.subi %parallel_loop3A_417, %parallel_loop3A_420 : i32
        %parallel_loop3A_422 = arith.constant 0 : i32
        %parallel_loop3A_423 = arith.cmpi sgt, %parallel_loop3A_413, %parallel_loop3A_422 : i32
        %parallel_loop3A_424 = arith.extui %parallel_loop3A_423 : i1 to i32
        %parallel_loop3A_425 = arith.constant 0 : i32
        %parallel_loop3A_426 = arith.cmpi slt, %parallel_loop3A_413, %parallel_loop3A_425 : i32
        %parallel_loop3A_427 = arith.extui %parallel_loop3A_426 : i1 to i32
        %parallel_loop3A_428 = arith.subi %parallel_loop3A_424, %parallel_loop3A_427 : i32
        %parallel_loop3A_429 = arith.cmpi ne, %parallel_loop3A_421, %parallel_loop3A_428 : i32
        %parallel_loop3A_430 = arith.remsi %parallel_loop3A_388, %parallel_loop3A_413 : i32
        %parallel_loop3A_431 = arith.constant 0 : i32
        %parallel_loop3A_432 = arith.cmpi ne, %parallel_loop3A_430, %parallel_loop3A_431 : i32
        %parallel_loop3A_433 = arith.andi %parallel_loop3A_429, %parallel_loop3A_432 : i1
        %parallel_loop3A_434 = arith.constant 1 : i32
        %parallel_loop3A_435 = arith.subi %parallel_loop3A_414, %parallel_loop3A_434 : i32
        %parallel_loop3A_436 = arith.select %parallel_loop3A_433, %parallel_loop3A_435, %parallel_loop3A_414 : i32
        %parallel_loop3A_437 = arith.constant 1 : i32
        %parallel_loop3A_438 = arith.andi %parallel_loop3A_436, %parallel_loop3A_437 : i32
        %parallel_loop3A_439 = arith.constant 63 : i32
        %parallel_loop3A_440 = arith.andi %parallel_loop3A_388, %parallel_loop3A_439 : i32
        %parallel_loop3A_441 = arith.constant 16 : i32
        %parallel_loop3A_442 = arith.muli %parallel_loop3A_440, %parallel_loop3A_441 : i32
        %parallel_loop3A_443 = arith.index_cast %parallel_loop3A_412 : i32 to index
        %parallel_loop3A_444 = arith.index_cast %parallel_loop3A_438 : i32 to index
        %parallel_loop3A_445 = arith.index_cast %parallel_loop3A_442 : i32 to index
        %parallel_loop3A_446 = tpu.vector_load %arg12[%parallel_loop3A_443, %parallel_loop3A_444, %parallel_loop3A_445] {strides = array<i32>} : memref<8x2x1024xf32, #tpu.memory_space<vmem>>, vector<16xf32>,
        %parallel_loop3A_447 = arith.index_cast %parallel_loop3A_412 : i32 to index
        %parallel_loop3A_448 = arith.index_cast %parallel_loop3A_438 : i32 to index
        %parallel_loop3A_449 = arith.index_cast %parallel_loop3A_442 : i32 to index
        %parallel_loop3A_450 = tpu.vector_load %arg14[%parallel_loop3A_447, %parallel_loop3A_448, %parallel_loop3A_449] {strides = array<i32>} : memref<8x2x1024xf32, #tpu.memory_space<vmem>>, vector<16xf32>,
        %parallel_loop3A_451 = arith.mulf %div3A_239, %parallel_loop3A_446 : vector<16xf32>
        %parallel_loop3A_452 = arith.mulf %mul3A_240, %parallel_loop3A_450 : vector<16xf32>
        %parallel_loop3A_453 = arith.addf %parallel_loop3A_451, %parallel_loop3A_452 : vector<16xf32>
        %parallel_loop3A_454 = arith.constant 6 : i32
        %parallel_loop3A_455 = arith.shrsi %parallel_loop3A_388, %parallel_loop3A_454 : i32
        %parallel_loop3A_456 = arith.constant 63 : i32
        %parallel_loop3A_457 = arith.andi %parallel_loop3A_388, %parallel_loop3A_456 : i32
        %parallel_loop3A_458 = arith.constant 16 : i32
        %parallel_loop3A_459 = arith.muli %parallel_loop3A_457, %parallel_loop3A_458 : i32
        %parallel_loop3A_460 = arith.index_cast %parallel_loop3A_455 : i32 to index
        %parallel_loop3A_461 = arith.index_cast %parallel_loop3A_459 : i32 to index
        %parallel_loop3A_462 = tpu.vector_load %arg16[%parallel_loop3A_460, %parallel_loop3A_461] {strides = array<i32>} : memref<16x1024xf32, #tpu.memory_space<vmem>>, vector<16xf32>,
        tpu.vector_store %arg16[%parallel_loop3A_460, %parallel_loop3A_461], %parallel_loop3A_453 {strides = array<i32>} : memref<16x1024xf32, #tpu.memory_space<vmem>>, vector<16xf32>,
      } {sc.loop_unroll_factor = 8 : i64, sc.parallel_access}
      %mul3A_343 = arith.constant 16 : i32
      %mul3A_344 = arith.muli %mul3A_300, %mul3A_343 : i32
      %add3A_345 = arith.addi %mul3A_258, %mul3A_344 : i32
      %dma_start3A_346 = arith.constant 0 : i32
      %dma_start3A_347 = tpu.memref_slice %arg4[%select_n3A, %add3A_345, %dma_start3A_346] : memref<4x1024x1024xf32, #tpu.memory_space<hbm>> -> memref<1x16x1024xf32, #tpu.memory_space<hbm>>
      %dma_start3A_348 = tpu.memref_squeeze %dma_start3A_347 : memref<1x16x1024xf32, #tpu.memory_space<hbm>> -> memref<16x1024xf32, #tpu.memory_space<hbm>>
      %dma_start3A_349 = arith.constant 0 : i32
      %dma_start3A_350 = tpu.memref_slice %arg4[%select_n3A, %add3A_345, %dma_start3A_349] : memref<4x1024x1024xf32, #tpu.memory_space<hbm>> -> memref<1x16x1024xf32, #tpu.memory_space<hbm>>
      %dma_start3A_351 = tpu.memref_squeeze %dma_start3A_350 : memref<1x16x1024xf32, #tpu.memory_space<hbm>> -> memref<16x1024xf32, #tpu.memory_space<hbm>>
      tpu.enqueue_dma source(%arg16 : memref<16x1024xf32, #tpu.memory_space<vmem>>) target(%dma_start3A_351 : memref<16x1024xf32, #tpu.memory_space<hbm>>) target_semaphore(%arg22 : memref<!tpu.dma_semaphore, #tpu.memory_space<semaphore_mem>>)
      %dma_wait3A_352 = arith.constant 0 : i32
      %dma_wait3A_353 = tpu.memref_slice %arg9[%dma_wait3A_352] : memref<16xi32, #tpu.memory_space<vmem>> -> memref<8xi32, #tpu.memory_space<vmem>>
      %dma_wait3A_354 = arith.constant 0 : i32
      %dma_wait3A_355 = arith.constant 0 : i32
      %dma_wait3A_356 = arith.constant 0 : i32
      %dma_wait3A_357 = tpu.memref_slice %arg3[%dma_wait3A_354, %dma_wait3A_355, %dma_wait3A_356] : memref<32768x2x1024xf32, #tpu.memory_space<hbm>> -> memref<32768x2x1024xf32, #tpu.memory_space<hbm>>
      tpu.wait_indirect_dma semaphore(%arg19 : memref<!tpu.dma_semaphore, #tpu.memory_space<semaphore_mem>>) src(%dma_wait3A_357 : memref<32768x2x1024xf32, #tpu.memory_space<hbm>>) dst(%arg13 : memref<8x2x1024xf32, #tpu.memory_space<vmem>>)
      %dma_wait3A_358 = arith.constant 0 : i32
      %dma_wait3A_359 = tpu.memref_slice %arg11[%dma_wait3A_358] : memref<16xi32, #tpu.memory_space<vmem>> -> memref<8xi32, #tpu.memory_space<vmem>>
      %dma_wait3A_360 = arith.constant 0 : i32
      %dma_wait3A_361 = arith.constant 0 : i32
      %dma_wait3A_362 = arith.constant 0 : i32
      %dma_wait3A_363 = tpu.memref_slice %arg3[%dma_wait3A_360, %dma_wait3A_361, %dma_wait3A_362] : memref<32768x2x1024xf32, #tpu.memory_space<hbm>> -> memref<32768x2x1024xf32, #tpu.memory_space<hbm>>
      tpu.wait_indirect_dma semaphore(%arg21 : memref<!tpu.dma_semaphore, #tpu.memory_space<semaphore_mem>>) src(%dma_wait3A_363 : memref<32768x2x1024xf32, #tpu.memory_space<hbm>>) dst(%arg15 : memref<8x2x1024xf32, #tpu.memory_space<vmem>>)
      %lt3A = arith.constant 3 : i32
      %lt3A_364 = arith.cmpi slt, %scan3A_297, %lt3A : i32
      %convert_element_type3A_365 = arith.extui %lt3A_364 : i1 to i32
      %cond3A_366 = arith.constant 0 : i32
      %cond3A_367 = arith.cmpi ne, %convert_element_type3A_365, %cond3A_366 : i32
      scf.if %cond3A_367 {
        %add3A_388 = arith.constant 2 : i32
        %add3A_389 = arith.addi %mul3A_300, %add3A_388 : i32
        %mul3A_390 = arith.constant 8 : i32
        %mul3A_391 = arith.muli %add3A_389, %mul3A_390 : i32
        %add3A_392 = vector.broadcast %mul3A_391 : i32 to vector<16xi32>
        %add3A_393 = arith.addi %add3A_248, %add3A_392 : vector<16xi32>
        %swap3A_394 = arith.constant 0 : index
        %swap3A_395 = tpu.vector_load %arg8[%swap3A_394] {strides = array<i32>} : memref<16xi32, #tpu.memory_space<vmem>>, vector<16xi32>,
        tpu.vector_store %arg8[%swap3A_394], %add3A_393 {strides = array<i32>} : memref<16xi32, #tpu.memory_space<vmem>>, vector<16xi32>,
        %mul3A_396 = arith.constant 8 : i32
        %mul3A_397 = arith.muli %add3A_389, %mul3A_396 : i32
        %add3A_398 = vector.broadcast %mul3A_397 : i32 to vector<16xi32>
        %add3A_399 = arith.addi %add3A_256, %add3A_398 : vector<16xi32>
        %swap3A_400 = arith.constant 0 : index
        %swap3A_401 = tpu.vector_load %arg10[%swap3A_400] {strides = array<i32>} : memref<16xi32, #tpu.memory_space<vmem>>, vector<16xi32>,
        tpu.vector_store %arg10[%swap3A_400], %add3A_399 {strides = array<i32>} : memref<16xi32, #tpu.memory_space<vmem>>, vector<16xi32>,
        %dma_start3A_402 = arith.constant 0 : i32
        %dma_start3A_403 = tpu.memref_slice %arg8[%dma_start3A_402] : memref<16xi32, #tpu.memory_space<vmem>> -> memref<8xi32, #tpu.memory_space<vmem>>
        %dma_start3A_404 = arith.constant 0 : i32
        %dma_start3A_405 = arith.constant 0 : i32
        %dma_start3A_406 = arith.constant 0 : i32
        %dma_start3A_407 = tpu.memref_slice %arg3[%dma_start3A_404, %dma_start3A_405, %dma_start3A_406] : memref<32768x2x1024xf32, #tpu.memory_space<hbm>> -> memref<32768x2x1024xf32, #tpu.memory_space<hbm>>
        tpu.enqueue_indirect_dma source(%dma_start3A_407 : memref<32768x2x1024xf32, #tpu.memory_space<hbm>>) target(%arg12 : memref<8x2x1024xf32, #tpu.memory_space<vmem>>) offsets(%dma_start3A_403 : memref<8xi32, #tpu.memory_space<vmem>>) semaphore(%arg18 : memref<!tpu.dma_semaphore, #tpu.memory_space<semaphore_mem>>)
        %dma_start3A_408 = arith.constant 0 : i32
        %dma_start3A_409 = tpu.memref_slice %arg10[%dma_start3A_408] : memref<16xi32, #tpu.memory_space<vmem>> -> memref<8xi32, #tpu.memory_space<vmem>>
        %dma_start3A_410 = arith.constant 0 : i32
        %dma_start3A_411 = arith.constant 0 : i32
        %dma_start3A_412 = arith.constant 0 : i32
        %dma_start3A_413 = tpu.memref_slice %arg3[%dma_start3A_410, %dma_start3A_411, %dma_start3A_412] : memref<32768x2x1024xf32, #tpu.memory_space<hbm>> -> memref<32768x2x1024xf32, #tpu.memory_space<hbm>>
        tpu.enqueue_indirect_dma source(%dma_start3A_413 : memref<32768x2x1024xf32, #tpu.memory_space<hbm>>) target(%arg14 : memref<8x2x1024xf32, #tpu.memory_space<vmem>>) offsets(%dma_start3A_409 : memref<8xi32, #tpu.memory_space<vmem>>) semaphore(%arg20 : memref<!tpu.dma_semaphore, #tpu.memory_space<semaphore_mem>>)
      } else {
      }
      %gt3A_368 = arith.constant 0 : i32
      %gt3A_369 = arith.cmpi sgt, %scan3A_297, %gt3A_368 : i32
      %convert_element_type3A_370 = arith.extui %gt3A_369 : i1 to i32
      %cond3A_371 = arith.constant 0 : i32
      %cond3A_372 = arith.cmpi ne, %convert_element_type3A_370, %cond3A_371 : i32
      scf.if %cond3A_372 {
        %dma_wait3A_388 = arith.constant 0 : i32
        %dma_wait3A_389 = tpu.memref_slice %arg4[%select_n3A, %mul3A_258, %dma_wait3A_388] : memref<4x1024x1024xf32, #tpu.memory_space<hbm>> -> memref<1x16x1024xf32, #tpu.memory_space<hbm>>
        %dma_wait3A_390 = tpu.memref_squeeze %dma_wait3A_389 : memref<1x16x1024xf32, #tpu.memory_space<hbm>> -> memref<16x1024xf32, #tpu.memory_space<hbm>>
        %dma_wait3A_391 = arith.constant 0 : i32
        %dma_wait3A_392 = tpu.memref_slice %arg4[%select_n3A, %mul3A_258, %dma_wait3A_391] : memref<4x1024x1024xf32, #tpu.memory_space<hbm>> -> memref<1x16x1024xf32, #tpu.memory_space<hbm>>
        %dma_wait3A_393 = tpu.memref_squeeze %dma_wait3A_392 : memref<1x16x1024xf32, #tpu.memory_space<hbm>> -> memref<16x1024xf32, #tpu.memory_space<hbm>>
        tpu.wait_dma2 semaphore(%arg23 : memref<!tpu.dma_semaphore, #tpu.memory_space<semaphore_mem>>) src(%arg17 : memref<16x1024xf32, #tpu.memory_space<vmem>>) dst(%dma_wait3A_393 : memref<16x1024xf32, #tpu.memory_space<hbm>>)
      } else {
      }
      %add3A_373 = arith.constant 1 : i32
      %add3A_374 = arith.addi %mul3A_300, %add3A_373 : i32
      %parallel_loop3A_375 = arith.constant 0 : i32
      %parallel_loop3A_376 = arith.constant 1024 : i32
      %parallel_loop3A_377 = arith.constant 1 : i32
      scf.for %parallel_loop3A_388 = %parallel_loop3A_375 to %parallel_loop3A_376 step %parallel_loop3A_377  : i32 {
        %parallel_loop3A_389 = arith.constant 128 : i32
        %parallel_loop3A_390 = arith.divsi %parallel_loop3A_388, %parallel_loop3A_389 : i32
        %parallel_loop3A_391 = arith.constant 0 : i32
        %parallel_loop3A_392 = arith.cmpi sgt, %parallel_loop3A_388, %parallel_loop3A_391 : i32
        %parallel_loop3A_393 = arith.extui %parallel_loop3A_392 : i1 to i32
        %parallel_loop3A_394 = arith.constant 0 : i32
        %parallel_loop3A_395 = arith.cmpi slt, %parallel_loop3A_388, %parallel_loop3A_394 : i32
        %parallel_loop3A_396 = arith.extui %parallel_loop3A_395 : i1 to i32
        %parallel_loop3A_397 = arith.subi %parallel_loop3A_393, %parallel_loop3A_396 : i32
        %parallel_loop3A_398 = arith.constant 0 : i32
        %parallel_loop3A_399 = arith.cmpi sgt, %parallel_loop3A_389, %parallel_loop3A_398 : i32
        %parallel_loop3A_400 = arith.extui %parallel_loop3A_399 : i1 to i32
        %parallel_loop3A_401 = arith.constant 0 : i32
        %parallel_loop3A_402 = arith.cmpi slt, %parallel_loop3A_389, %parallel_loop3A_401 : i32
        %parallel_loop3A_403 = arith.extui %parallel_loop3A_402 : i1 to i32
        %parallel_loop3A_404 = arith.subi %parallel_loop3A_400, %parallel_loop3A_403 : i32
        %parallel_loop3A_405 = arith.cmpi ne, %parallel_loop3A_397, %parallel_loop3A_404 : i32
        %parallel_loop3A_406 = arith.remsi %parallel_loop3A_388, %parallel_loop3A_389 : i32
        %parallel_loop3A_407 = arith.constant 0 : i32
        %parallel_loop3A_408 = arith.cmpi ne, %parallel_loop3A_406, %parallel_loop3A_407 : i32
        %parallel_loop3A_409 = arith.andi %parallel_loop3A_405, %parallel_loop3A_408 : i1
        %parallel_loop3A_410 = arith.constant 1 : i32
        %parallel_loop3A_411 = arith.subi %parallel_loop3A_390, %parallel_loop3A_410 : i32
        %parallel_loop3A_412 = arith.select %parallel_loop3A_409, %parallel_loop3A_411, %parallel_loop3A_390 : i32
        %parallel_loop3A_413 = arith.constant 64 : i32
        %parallel_loop3A_414 = arith.divsi %parallel_loop3A_388, %parallel_loop3A_413 : i32
        %parallel_loop3A_415 = arith.constant 0 : i32
        %parallel_loop3A_416 = arith.cmpi sgt, %parallel_loop3A_388, %parallel_loop3A_415 : i32
        %parallel_loop3A_417 = arith.extui %parallel_loop3A_416 : i1 to i32
        %parallel_loop3A_418 = arith.constant 0 : i32
        %parallel_loop3A_419 = arith.cmpi slt, %parallel_loop3A_388, %parallel_loop3A_418 : i32
        %parallel_loop3A_420 = arith.extui %parallel_loop3A_419 : i1 to i32
        %parallel_loop3A_421 = arith.subi %parallel_loop3A_417, %parallel_loop3A_420 : i32
        %parallel_loop3A_422 = arith.constant 0 : i32
        %parallel_loop3A_423 = arith.cmpi sgt, %parallel_loop3A_413, %parallel_loop3A_422 : i32
        %parallel_loop3A_424 = arith.extui %parallel_loop3A_423 : i1 to i32
        %parallel_loop3A_425 = arith.constant 0 : i32
        %parallel_loop3A_426 = arith.cmpi slt, %parallel_loop3A_413, %parallel_loop3A_425 : i32
        %parallel_loop3A_427 = arith.extui %parallel_loop3A_426 : i1 to i32
        %parallel_loop3A_428 = arith.subi %parallel_loop3A_424, %parallel_loop3A_427 : i32
        %parallel_loop3A_429 = arith.cmpi ne, %parallel_loop3A_421, %parallel_loop3A_428 : i32
        %parallel_loop3A_430 = arith.remsi %parallel_loop3A_388, %parallel_loop3A_413 : i32
        %parallel_loop3A_431 = arith.constant 0 : i32
        %parallel_loop3A_432 = arith.cmpi ne, %parallel_loop3A_430, %parallel_loop3A_431 : i32
        %parallel_loop3A_433 = arith.andi %parallel_loop3A_429, %parallel_loop3A_432 : i1
        %parallel_loop3A_434 = arith.constant 1 : i32
        %parallel_loop3A_435 = arith.subi %parallel_loop3A_414, %parallel_loop3A_434 : i32
        %parallel_loop3A_436 = arith.select %parallel_loop3A_433, %parallel_loop3A_435, %parallel_loop3A_414 : i32
        %parallel_loop3A_437 = arith.constant 1 : i32
        %parallel_loop3A_438 = arith.andi %parallel_loop3A_436, %parallel_loop3A_437 : i32
        %parallel_loop3A_439 = arith.constant 63 : i32
        %parallel_loop3A_440 = arith.andi %parallel_loop3A_388, %parallel_loop3A_439 : i32
        %parallel_loop3A_441 = arith.constant 16 : i32
        %parallel_loop3A_442 = arith.muli %parallel_loop3A_440, %parallel_loop3A_441 : i32
        %parallel_loop3A_443 = arith.index_cast %parallel_loop3A_412 : i32 to index
        %parallel_loop3A_444 = arith.index_cast %parallel_loop3A_438 : i32 to index
        %parallel_loop3A_445 = arith.index_cast %parallel_loop3A_442 : i32 to index
        %parallel_loop3A_446 = tpu.vector_load %arg13[%parallel_loop3A_443, %parallel_loop3A_444, %parallel_loop3A_445] {strides = array<i32>} : memref<8x2x1024xf32, #tpu.memory_space<vmem>>, vector<16xf32>,
        %parallel_loop3A_447 = arith.index_cast %parallel_loop3A_412 : i32 to index
        %parallel_loop3A_448 = arith.index_cast %parallel_loop3A_438 : i32 to index
        %parallel_loop3A_449 = arith.index_cast %parallel_loop3A_442 : i32 to index
        %parallel_loop3A_450 = tpu.vector_load %arg15[%parallel_loop3A_447, %parallel_loop3A_448, %parallel_loop3A_449] {strides = array<i32>} : memref<8x2x1024xf32, #tpu.memory_space<vmem>>, vector<16xf32>,
        %parallel_loop3A_451 = arith.mulf %div3A_239, %parallel_loop3A_446 : vector<16xf32>
        %parallel_loop3A_452 = arith.mulf %mul3A_240, %parallel_loop3A_450 : vector<16xf32>
        %parallel_loop3A_453 = arith.addf %parallel_loop3A_451, %parallel_loop3A_452 : vector<16xf32>
        %parallel_loop3A_454 = arith.constant 6 : i32
        %parallel_loop3A_455 = arith.shrsi %parallel_loop3A_388, %parallel_loop3A_454 : i32
        %parallel_loop3A_456 = arith.constant 63 : i32
        %parallel_loop3A_457 = arith.andi %parallel_loop3A_388, %parallel_loop3A_456 : i32
        %parallel_loop3A_458 = arith.constant 16 : i32
        %parallel_loop3A_459 = arith.muli %parallel_loop3A_457, %parallel_loop3A_458 : i32
        %parallel_loop3A_460 = arith.index_cast %parallel_loop3A_455 : i32 to index
        %parallel_loop3A_461 = arith.index_cast %parallel_loop3A_459 : i32 to index
        %parallel_loop3A_462 = tpu.vector_load %arg17[%parallel_loop3A_460, %parallel_loop3A_461] {strides = array<i32>} : memref<16x1024xf32, #tpu.memory_space<vmem>>, vector<16xf32>,
        tpu.vector_store %arg17[%parallel_loop3A_460, %parallel_loop3A_461], %parallel_loop3A_453 {strides = array<i32>} : memref<16x1024xf32, #tpu.memory_space<vmem>>, vector<16xf32>,
      } {sc.loop_unroll_factor = 8 : i64, sc.parallel_access}
      %mul3A_378 = arith.constant 16 : i32
      %mul3A_379 = arith.muli %add3A_374, %mul3A_378 : i32
      %add3A_380 = arith.addi %mul3A_258, %mul3A_379 : i32
      %dma_start3A_381 = arith.constant 0 : i32
      %dma_start3A_382 = tpu.memref_slice %arg4[%select_n3A, %add3A_380, %dma_start3A_381] : memref<4x1024x1024xf32, #tpu.memory_space<hbm>> -> memref<1x16x1024xf32, #tpu.memory_space<hbm>>
      %dma_start3A_383 = tpu.memref_squeeze %dma_start3A_382 : memref<1x16x1024xf32, #tpu.memory_space<hbm>> -> memref<16x1024xf32, #tpu.memory_space<hbm>>
      %dma_start3A_384 = arith.constant 0 : i32
      %dma_start3A_385 = tpu.memref_slice %arg4[%select_n3A, %add3A_380, %dma_start3A_384] : memref<4x1024x1024xf32, #tpu.memory_space<hbm>> -> memref<1x16x1024xf32, #tpu.memory_space<hbm>>
      %dma_start3A_386 = tpu.memref_squeeze %dma_start3A_385 : memref<1x16x1024xf32, #tpu.memory_space<hbm>> -> memref<16x1024xf32, #tpu.memory_space<hbm>>
      tpu.enqueue_dma source(%arg17 : memref<16x1024xf32, #tpu.memory_space<vmem>>) target(%dma_start3A_386 : memref<16x1024xf32, #tpu.memory_space<hbm>>) target_semaphore(%arg23 : memref<!tpu.dma_semaphore, #tpu.memory_space<semaphore_mem>>)
      %scan3A_387 = arith.constant 0 : i32
      scf.yield %scan3A_387 : i32
    }
    %scan3A_285 = arith.constant 4 : i32
    %dma_wait3A = arith.constant 0 : i32
    %dma_wait3A_286 = tpu.memref_slice %arg4[%select_n3A, %mul3A_258, %dma_wait3A] : memref<4x1024x1024xf32, #tpu.memory_space<hbm>> -> memref<1x16x1024xf32, #tpu.memory_space<hbm>>
    %dma_wait3A_287 = tpu.memref_squeeze %dma_wait3A_286 : memref<1x16x1024xf32, #tpu.memory_space<hbm>> -> memref<16x1024xf32, #tpu.memory_space<hbm>>
    %dma_wait3A_288 = arith.constant 0 : i32
    %dma_wait3A_289 = tpu.memref_slice %arg4[%select_n3A, %mul3A_258, %dma_wait3A_288] : memref<4x1024x1024xf32, #tpu.memory_space<hbm>> -> memref<1x16x1024xf32, #tpu.memory_space<hbm>>
    %dma_wait3A_290 = tpu.memref_squeeze %dma_wait3A_289 : memref<1x16x1024xf32, #tpu.memory_space<hbm>> -> memref<16x1024xf32, #tpu.memory_space<hbm>>
    tpu.wait_dma2 semaphore(%arg22 : memref<!tpu.dma_semaphore, #tpu.memory_space<semaphore_mem>>) src(%arg16 : memref<16x1024xf32, #tpu.memory_space<vmem>>) dst(%dma_wait3A_290 : memref<16x1024xf32, #tpu.memory_space<hbm>>)
    %dma_wait3A_291 = arith.constant 0 : i32
    %dma_wait3A_292 = tpu.memref_slice %arg4[%select_n3A, %mul3A_258, %dma_wait3A_291] : memref<4x1024x1024xf32, #tpu.memory_space<hbm>> -> memref<1x16x1024xf32, #tpu.memory_space<hbm>>
    %dma_wait3A_293 = tpu.memref_squeeze %dma_wait3A_292 : memref<1x16x1024xf32, #tpu.memory_space<hbm>> -> memref<16x1024xf32, #tpu.memory_space<hbm>>
    %dma_wait3A_294 = arith.constant 0 : i32
    %dma_wait3A_295 = tpu.memref_slice %arg4[%select_n3A, %mul3A_258, %dma_wait3A_294] : memref<4x1024x1024xf32, #tpu.memory_space<hbm>> -> memref<1x16x1024xf32, #tpu.memory_space<hbm>>
    %dma_wait3A_296 = tpu.memref_squeeze %dma_wait3A_295 : memref<1x16x1024xf32, #tpu.memory_space<hbm>> -> memref<16x1024xf32, #tpu.memory_space<hbm>>
    tpu.wait_dma2 semaphore(%arg23 : memref<!tpu.dma_semaphore, #tpu.memory_space<semaphore_mem>>) src(%arg17 : memref<16x1024xf32, #tpu.memory_space<vmem>>) dst(%dma_wait3A_296 : memref<16x1024xf32, #tpu.memory_space<hbm>>)
    return
  }
}

</mosaic_0001>

<sc_bundles>
// kernel: kernel.4.cloned.1.call-start
scs
__scs_entry_jumppad:
0x0: {  	(pc) =	sbr.rel $0x88, $3  }
0x1: {  	(tag) =	ssettag $0x0;
	lr =	simm.s32 $0x1  }
0x2: {  	[smem:$0x3F9F] =	sst lr;
	_ =	strace $0xD0000000  }
0x3: {  	_ = 	snop  }
0x4: {  	_ = 	snop  }
0x5: {  	_ = 	snop  }
0x6: {  	_ = 	snop  }
0x7: {  	_ = 	snop  }
__scs_overlays_trampoline_lowered:
0x8: {  	[smem:$0x3FAE] =	sst s0  }
0x9: {  	[smem:$0x3FAF] =	sst s1  }
0xa: {  	[smem:$0x3FB0] =	sst s2  }
0xb: {  	[smem:$0x3FB1] =	sst s3  }
0xc: {  	[smem:$0x3FB2] =	sst s4  }
0xd: {  	[smem:$0x3FB3] =	sst s5  }
0xe: {  	[smem:$0x3FB4] =	sst s6  }
0xf: {  	[smem:$0x3FB5] =	sst s7  }
0x10: {  	[smem:$0x3FB6] =	sst s8  }
0x11: {  	[smem:$0x3FB7] =	sst s9;
	s0 =	simm.s32 @!p0 $0x0  }
0x12: {  	s1 =	sld [smem:$0x3F9D];
	s0 =	simm.s32 @p0 $0x1  }
0x13: {  	[smem:$0x3FB8] =	sst s0;
	s0 =	simm.s32 @!p1 $0x0  }
0x14: {  	s2 =	sld [smem:$0x3F9C];
	s0 =	simm.s32 @p1 $0x1  }
0x15: {  	[smem:$0x3FB9] =	sst s0;
	s0 =	simm.s32 @!p2 $0x0  }
0x16: {  	s3 =	sld [smem:$0x3FDB];
	s0 =	simm.s32 @p2 $0x1  }
0x17: {  	s4 =	simm.s32 $0x1BF5;
	[smem:$0x3FBB] =	sst s0  }
0x18: {  	s0 =	sld [smem:$0x3F9E];
	_ =	swait.ge [sflag:s4], $0x0  }
0x19: {  	s7 =	sld [smem:$0x3F9F]  }
0x1a: {  	s8 =	sadd.s32 $0xFFFFE003, lr  }
0x1b: {  	s9 =	sadd.s32 $0xFFFFFEF7, lr;
	s5 =	simm.s32 $0xFFFFFFFF;
	p2 =	slt.u32 s8, $0xFFFFF086  }
0x1c: {  	p1 =	slt.u32 s9, $0xF7A;
	s5 =	simm.s32 @!p2 $0x0  }
0x1d: {  	s5 =	simm.s32 @p1 $0x1;
	p0 =	seq.s32 s7, s2  }
0x1e: {  	s7 =	smul.u32 @!p0 $0xF7A, s2;
	p2 =	seq.s32 @!p0 s5, $0x0  }
0x1f: {  	s9 =	smul.u32 $0xF7A, s1;
	s8 =	simm.s32 @!p0 $0x1BF5;
	p2 =	por !p2, p0  }
0x20: {  	[sflag:s8] =	ssyncset.s32 @!p0 $0xFFFFF086;
	s6 =	sadd.s32 @!p0 s3, s7;
	s7 =	simm.s32 @!p0 $0x108  }
0x21: {  	s3 =	sadd.s32 s3, s9;
	s6 =	sadd.s32 @!p0 $0x88, s6;
	s7 =	simm.s32 @p2 $0x1082  }
0x22: {  	[simem:s7], [sflag:s8] =	dma.local @!p0 [hbm:s6], $0xF7A  }
0x23: {  	s9 =	sor.u32 $0xD0000000, s2;
	s6 =	simm.s32 $0x108;
	_ =	swait.ge @!p0 [sflag:s8], $0x0  }
0x24: {  	s3 =	sadd.s32 $0x88, s3;
	s6 =	simm.s32 @!p1 $0x1082;
	[sflag:s4] =	ssyncset.s32 $0xFFFFF086  }
0x25: {  	[simem:s6], [sflag:s4] =	dma.local [hbm:s3], $0xF7A  }
0x26: {  	[smem:$0x3F9F] =	sst s1;
	(tag) =	ssettag s2;
	_ =	strace s9  }
0x27: {  	s1 =	sld [smem:$0x3FAF]  }
0x28: {  	s2 =	sld [smem:$0x3FB0]  }
0x29: {  	s4 =	sld [smem:$0x3FB2]  }
0x2a: {  	p0 =	seq.s32 s5, $0x0;
	s5 =	sld [smem:$0x3FB3]  }
0x2b: {  	s6 =	sld [smem:$0x3FB4]  }
0x2c: {  	s7 =	sld [smem:$0x3FB5]  }
0x2d: {  	s3 =	simm.s32 $0x108;
	s8 =	sld [smem:$0x3FB6]  }
0x2e: {  	s3 =	simm.s32 @!p0 $0x1082;
	s9 =	sld [smem:$0x3FB7]  }
0x2f: {  	lr =	sadd.s32 s0, s3;
	s0 =	sld [smem:$0x3FAE]  }
0x30: {  	s3 =	sld [smem:$0x3FB1]  }
0x31: {  	[smem:$0x3FBA] =	sst s10  }
0x32: {  	s10 =	sld [smem:$0x3FB8];
	_ =	sdelay $0x3  }
0x33: {  	p0 =	seq.s32 s10, $0x1;
	s10 =	sld [smem:$0x3FBA];
	_ =	sdelay $0x3  }
0x34: {  	[smem:$0x3FBA] =	sst s10  }
0x35: {  	s10 =	sld [smem:$0x3FB9];
	_ =	sdelay $0x3  }
0x36: {  	p1 =	seq.s32 s10, $0x1;
	s10 =	sld [smem:$0x3FBA];
	_ =	sdelay $0x3  }
0x37: {  	[smem:$0x3FBA] =	sst s10  }
0x38: {  	s10 =	sld [smem:$0x3FBB]  }
0x39: {  	_ = 	snop;
	(pc) =	sbr.ind lr, $3  }
0x3a: {  	_ = 	snop  }
0x3b: {  	_ = 	snop  }
0x3c: {  	p2 =	seq.s32 s10, $0x1;
	s10 =	sld [smem:$0x3FBA]  }
0x3d: {  	_ =	shalt  }
0x3e: {  	_ =	shalt  }
0x3f: {  	_ =	shalt  }
0x40: {  	_ =	shalt  }
0x41: {  	_ =	shalt  }
0x42: {  	_ =	shalt  }
0x43: {  	_ =	shalt  }
0x44: {  	_ =	shalt  }
0x45: {  	_ =	shalt  }
0x46: {  	_ =	shalt  }
0x47: {  	_ =	shalt  }
0x48: {  	_ =	shalt  }
0x49: {  	_ =	shalt  }
0x4a: {  	_ =	shalt  }
0x4b: {  	_ =	shalt  }
0x4c: {  	_ =	shalt  }
0x4d: {  	_ =	shalt  }
0x4e: {  	_ =	shalt  }
0x4f: {  	_ =	shalt  }
0x50: {  	_ =	shalt  }
0x51: {  	_ =	shalt  }
0x52: {  	_ =	shalt  }
0x53: {  	_ =	shalt  }
0x54: {  	_ =	shalt  }
0x55: {  	_ =	shalt  }
0x56: {  	_ =	shalt  }
0x57: {  	_ =	shalt  }
0x58: {  	_ =	shalt  }
0x59: {  	_ =	shalt  }
0x5a: {  	_ =	shalt  }
0x5b: {  	_ =	shalt  }
0x5c: {  	_ =	shalt  }
0x5d: {  	_ =	shalt  }
0x5e: {  	_ =	shalt  }
0x5f: {  	_ =	shalt  }
0x60: {  	_ =	shalt  }
0x61: {  	_ =	shalt  }
0x62: {  	_ =	shalt  }
0x63: {  	_ =	shalt  }
0x64: {  	_ =	shalt  }
0x65: {  	_ =	shalt  }
0x66: {  	_ =	shalt  }
0x67: {  	_ =	shalt  }
0x68: {  	_ =	shalt  }
0x69: {  	_ =	shalt  }
0x6a: {  	_ =	shalt  }
0x6b: {  	_ =	shalt  }
0x6c: {  	_ =	shalt  }
0x6d: {  	_ =	shalt  }
0x6e: {  	_ =	shalt  }
0x6f: {  	_ =	shalt  }
0x70: {  	_ =	shalt  }
0x71: {  	_ =	shalt  }
0x72: {  	_ =	shalt  }
0x73: {  	_ =	shalt  }
0x74: {  	_ =	shalt  }
0x75: {  	_ =	shalt  }
0x76: {  	_ =	shalt  }
0x77: {  	_ =	shalt  }
0x78: {  	_ =	shalt  }
0x79: {  	_ =	shalt  }
0x7a: {  	_ =	shalt  }
0x7b: {  	_ =	shalt  }
0x7c: {  	_ =	shalt  }
0x7d: {  	_ =	shalt  }
0x7e: {  	_ =	shalt  }
0x7f: {  	_ =	shalt  }
0x80: {  	_ =	shalt  }
0x81: {  	_ =	shalt  }
0x82: {  	_ =	shalt  }
0x83: {  	_ =	shalt  }
0x84: {  	_ =	shalt  }
0x85: {  	_ =	shalt  }
0x86: {  	_ =	shalt  }
0x87: {  	_ =	shalt  }
.Lfunc_end0:
.L_simem_size_0:
called_computation_lowered:
.L_overlay_start_0:
0x88: {  	s2 =	sld [smem:$0x3FD9]  }
0x89: {  	s3 =	sld [smem:$0x3FFE];
	_ =	sdelay $0x1  }
0x8a: {  	s1 =	srdreg.scid  }
0x8b: {  	s0 =	sand.u32 $0x1, s1  }
0x8c: {  	s17 =	sshll.u32 s0, $0xA;
	s2 =	sadd.s32 s3, s2  }
0x8d: {  	s2 =	sadd.s32 s2, s17  }
0x8e: {  	[smem:$0x3FC6] =	sst s2  }
0x8f: {  	_ = 	snop  }
0x90: {  	s2 =	sld [smem:$0x3FC9]  }
0x91: {  	s18 =	sld [smem:$0x3FD0];
	(tm) =	ssettm $0x1  }
0x92: {  	s4 =	sld [smem:$0x3FFB];
	_ =	sdelay $0x3  }
0x93: {  	_ =	strace s4  }
0x94: {  	s4 =	sld [smem:$0x3FFC];
	_ =	sdelay $0x3  }
0x95: {  	_ =	strace s4  }
0x96: {  	s4 =	sld [smem:$0x3FFD];
	_ =	sdelay $0x3  }
0x97: {  	_ =	strace s4  }
0x98: {  	_ =	strace $0x8FFFFFFF  }
0x99: {  	s19 =	sld [smem:$0x3FDB];
	_ =	sdelay $0x1  }
0x9a: {  	s5 =	simm.s32 $_scs_section_size  }
0x9b: {  	s6 =	simm.s32 $_size__tile_overlayer_lowered;
	s7 =	simm.s32 $_tile_overlayer_lowered  }
0x9c: {  	s22 =	simm.s32 $0x1BFF;
	s21 =	sshll.u32 s7, $0x1;
	s4 =	sadd.s32 s5, s19  }
0x9d: {  	s8 =	simm.s32 $0x0;
	s20 =	sshll.u32 s6, $0x1;
	s6 =	sadd.s32 s21, s4  }
0x9e: {  	[timem:s8], [sflag:s22] =	dma.local [hbm:s6], s20  }
0x9f: {  	_ =	swait.ge [sflag:s22], s20  }
0xa0: {  	s5 =	ssub.s32 $0x0, s20;
	[sflag:s22] =	ssyncset.done $0x0  }
0xa1: {  	[sflag:s22] =	ssyncadd.s32 s5;
	_ =	sdelay $0x1  }
0xa2: {  	s23 =	simm.s32 $0x1B8B  }
0xa3: {  	_ =	swait.ge [sflag:s23], $0x1  }
0xa4: {  	[sflag:s23] =	ssyncset.done $0x0  }
0xa5: {  	s25 =	simm.s32 $0x1B8E;
	s24 =	sld [smem:$0x3FFE];
	[sflag:s23] =	ssyncadd.s32 $0xFFFFFFFF  }
0xa6: {  	s26 =	simm.s32 $execute0_lowered;
	[smem:$0x3FD2] =	sst s25  }
0xa7: {  	s6 =	sshll.u32 s26, $0x1;
	_ =	strace $0x80000046;
	[dreg:$0x1] =	wrdreg $0xFFFFFFFF  }
0xa8: {  	s28 =	simm.s32 $_size_execute0_lowered;
	s4 =	sadd.s32 s4, s6;
	[dreg:$0x0] =	wrdreg $0x0  }
0xa9: {  	s6 =	sshll.u32 s28, $0x1;
	[dreg:$0x2] =	wrdreg s4  }
0xaa: {  	[dreg:$0x3] =	wrdreg s6  }
0xab: {  	[dreg:$0x4] =	wrdreg $0xC0  }
0xac: {  	_ =	task [dreg:s8], $0x5FFFF  }
0xad: {  	[dreg:$0x1] =	wrdreg $0xFFFFFFFF  }
0xae: {  	[dreg:$0x0] =	wrdreg $0x60  }
0xaf: {  	[dreg:$0x2] =	wrdreg s2  }
0xb0: {  	[dreg:$0x3] =	wrdreg s24  }
0xb1: {  	[dreg:$0x4] =	wrdreg s18  }
0xb2: {  	[dreg:$0x5] =	wrdreg $0x9  }
0xb3: {  	_ =	task.clear_ibuf [dreg:s8], $0x6FFFF;
	_ =	strace $0x90000046  }
0xb4: {  	s29 =	simm.s32 $0x9;
	_ =	strace $0x80000048  }
0xb5: {  	_ =	swait.ge [sflag:s29], $0x1  }
0xb6: {  	[sflag:s29] =	ssyncadd.s32 $0xFFFFFFFF  }
0xb7: {  	_ =	strace $0x90000048  }
0xb8: {  	_ =	sfence  }
0xb9: {  	s30 =	sld [smem:$0x0];
	_ =	sdelay $0x2  }
0xba: {  	s31 =	sshll.u32 s1, $0xD;
	s1 =	sshrl.u32 s1, $0x2  }
0xbb: {  	s3 =	sand.u32 $0x4000, s31;
	s1 =	sadd.s32 s1, s30  }
0xbc: {  	s0 =	sor.u32 s3, s0;
	s1 =	sshll.u32 s1, $0x11  }
0xbd: {  	s0 =	sor.u32 s1, s0  }
0xbe: {  	s0 =	sadd.s32 $0x8F2B, s0  }
0xbf: {  	[sflag:s0] =	ssyncadd.remote.s32 $0x1  }
0xc0: {  	_ =	sfence.sel $0xFFFF  }
0xc1: {  	[dreg:$0x0] =	wrdreg $0xFFFFFFFF;
	(pc) =	sbr.abs _section_cstart, $3  }
0xc2: {  	[dreg:$0x1] =	wrdreg $0xFFFFFFFF  }
0xc3: {  	_ =	task.clear_ibuf [dreg:s8], $0x2FFFF;
	_ =	strace $0x9FFFFFFF  }
0xc4: {  	(tm) =	ssettm $0x7FFFFFFF  }
0xc5: {  	_ =	shalt  }
tec
execute0_lowered:
.L_overlay_start_1:
0x0: {  	(tag) =	ssettag $0x1  }
0x1: {  	s0 =	rddreg [dreg:$0x0]  }
0x2: {  	s3 =	rddreg [dreg:$0x1];
	v0 =	vimm.s32 $0xEFCDAB89;
	v2 =	vimm.s32 $0xDCFE98BA  }
0x3: {  	s1 =	rddreg [dreg:$0x2];
	s2 =	simm.s32 $0x0;
	s5 =	srdreg.scid;
	v4 =	vimm.s32 $0x54761032;
	v5 =	vimm.s32 $0xBA98FEDC;
	v6 =	vimm.s32 $0x32107654  }
0x4: {  	s7 =	stileid.u32;
	v7 =	vimm.s32 $0xFEDCBA98;
	v8 =	vimm.s32 $0x76543210;
	s10 =	simm.s32 $0x100;
	s13 =	simm.s32 $0x1;
	vm0 =	vmmov $0xff  }
0x5: {  	s14 =	simm.s32 $0x3;
	s15 =	simm.s32 $0x4380;
	s16 =	simm.s32 $0xC380;
	v1 =	vunpack.c.l.s4.s8 v0;
	v0 =	vimm.s32 $0x67452301;
	v2 =	vunpack.c.l.s4.s8 v2  }
0x6: {  	s17 =	simm.s32 $0x10380;
	s18 =	simm.s32 $0x2;
	s19 =	simm.s32 $0x4;
	v4 =	vunpack.c.l.s4.s8 v4;
	v5 =	vunpack.c.l.s4.s8 v5;
	v6 =	vunpack.c.l.s4.s8 v6  }
0x7: {  	s20 =	simm.s32 $0x14380;
	s21 =	simm.s32 $0x5;
	s22 =	simm.s32 $0x6;
	v7 =	vunpack.c.l.s4.s8 v7;
	v8 =	vunpack.c.l.s4.s8 v8;
	v3 =	vunpack.c.l.s4.s8 v0  }
0x8: {  	s23 =	simm.s32 $0x0;
	[smem:$0x7FF] =	sst s2;
	s6 =	sshll.u32 s7, $0x1;
	v1 =	vunpack.c.0.s8.s32 v1;
	v2 =	vunpack.c.0.s8.s32 v2;
	v4 =	vunpack.c.0.s8.s32 v4  }
0x9: {  	s4 =	sadd.s32 $0x400, s3;
	s29 =	sand.u32 $0x1, s5;
	s6 =	sand.u32 $0x6, s6;
	v5 =	vunpack.c.0.s8.s32 v5;
	v6 =	vunpack.c.0.s8.s32 v6;
	v3 =	vunpack.c.0.s8.s32 v3  }
0xa: {  	s7 =	sshrl.u32 s7, $0x2;
	v0 =	vlaneseq.u32;
	s5 =	ssub.s32 $0x2, s29;
	s3 =	sor.u32 s29, s6;
	v7 =	vunpack.c.0.s8.s32 v7;
	v4 =	vcombine.low v4, v2  }
0xb: {  	_ =	strace $0x80000047;
	s8 =	sshrl.u32 s5, $0x1;
	s30 =	sshll.u32 s3, $0x6;
	v5 =	vcombine.low v6, v5;
	v6 =	vunpack.c.0.s8.s32 v8;
	v3 =	vcombine.low v3, v1  }
0xc: {  	s9 =	sshll.u32 s7, $0x4;
	s31 =	sshll.u32 s7, $0x14;
	s8 =	ssub.s32 s5, s8;
	v7 =	vand.u32 $0xF, v7;
	v8 =	vor.u32 $0x10, v0;
	v1 =	vor.u32 s30, v0  }
0xd: {  	s5 =	sadd.s32 s0, s9;
	s3 =	sshll.u32 s3, $0x11;
	s9 =	simm.s32 $0x80;
	v2 =	vand.u32 $0xF, v3;
	v3 =	vand.u32 $0xF, v4;
	v4 =	vand.u32 $0xF, v5  }
0xe: {  	s6 =	sor.u32 s31, s3;
	s7 =	smax.u32 s8, $0x1;
	s8 =	simm.s32 $0x7;
	v5 =	vcombine.low v7, v6;
	v6 =	vor.u32 $0x30, v0;
	v7 =	vor.u32 $0x20, v0  }
.LBB2_1:
0xf: {  	[tilespmem:s2], [sflag:$0x7] =	stream.linear.gather [hbm4b:s5+s2], $0x80, $0x38;
	[tilespmem:$0x18380] =	vst v63  }
0x10: {  	_ =	swait.ge [sflag:s8], $0x80  }
0x11: {  	[sflag:s8] =	ssyncset.done $0x0  }
0x12: {  	[sflag:s8] =	ssyncadd.s32 $0xFFFFFF80  }
0x13: {  	v9 =	vld [tilespmem:$0x0]  }
0x14: {  	v10 =	vld [tilespmem:$0x10]  }
0x15: {  	v11 =	vld [tilespmem:$0x20]  }
0x16: {  	v12 =	vld [tilespmem:$0x30];
	_ =	sdelay $0x2  }
0x17: {  	v13 =	vmax.f32 v9, v10  }
0x18: {  	v13 =	vmax.f32 v13, v11  }
0x19: {  	v13 =	vmax.f32 v13, v12  }
0x1a: {  	[tilespmem:$0x80] =	vst v13  }
0x1b: {  	v14 =	vld.idx.msk [tilespmem:v2+s9+$0x0], $0xffff;
	_ =	sdelay $0x4  }
0x1c: {  	v13 =	vmax.f32 v13, v14  }
0x1d: {  	[tilespmem:$0x80] =	vst v13  }
0x1e: {  	v14 =	vld.idx.msk [tilespmem:v3+s9+$0x0], $0xffff;
	_ =	sdelay $0x4  }
0x1f: {  	v13 =	vmax.f32 v13, v14  }
0x20: {  	[tilespmem:$0x80] =	vst v13  }
0x21: {  	v14 =	vld.idx.msk [tilespmem:v4+s9+$0x0], $0xffff;
	_ =	sdelay $0x4  }
0x22: {  	v13 =	vmax.f32 v13, v14  }
0x23: {  	[tilespmem:$0x80] =	vst v13  }
0x24: {  	v14 =	vld.idx.msk [tilespmem:v5+s9+$0x0], $0xffff;
	_ =	sdelay $0x4  }
0x25: {  	v13 =	vmax.f32 v13, v14  }
0x26: {  	vm1 =	veq.f32 v12, v13  }
0x27: {  	vm2 =	veq.f32 v11, v13;
	v14 =	vnsel vm1, $0x40, v6  }
0x28: {  	vm1 =	veq.f32 v10, v13;
	v14 =	vsel vm2, v7, v14  }
0x29: {  	vm2 =	veq.f32 v9, v13;
	v14 =	vsel vm1, v8, v14  }
0x2a: {  	v14 =	vsel vm2, v0, v14  }
0x2b: {  	[tilespmem:$0x100] =	vst v14  }
0x2c: {  	v15 =	vld.idx.msk [tilespmem:v2+s10+$0x0], $0xffff;
	_ =	sdelay $0x4  }
0x2d: {  	vm1 =	vlt.s32 v14, v15  }
0x2e: {  	v14 =	vsel vm1, v14, v15  }
0x2f: {  	[tilespmem:$0x100] =	vst v14  }
0x30: {  	v15 =	vld.idx.msk [tilespmem:v3+s10+$0x0], $0xffff;
	_ =	sdelay $0x4  }
0x31: {  	vm1 =	vlt.s32 v14, v15  }
0x32: {  	v14 =	vsel vm1, v14, v15  }
0x33: {  	[tilespmem:$0x100] =	vst v14  }
0x34: {  	v15 =	vld.idx.msk [tilespmem:v4+s10+$0x0], $0xffff;
	_ =	sdelay $0x4  }
0x35: {  	vm1 =	vlt.s32 v14, v15  }
0x36: {  	v14 =	vsel vm1, v14, v15  }
0x37: {  	[tilespmem:$0x100] =	vst v14  }
0x38: {  	v15 =	vld.idx.msk [tilespmem:v5+s10+$0x0], $0xffff;
	_ =	sdelay $0x4  }
0x39: {  	vm1 =	vlt.s32 v14, v15  }
0x3a: {  	v14 =	vsel vm1, v14, v15  }
0x3b: {  	vm1 =	veq.s32 v14, v0;
	vm2 =	veq.s32 v14, v8  }
0x3c: {  	v9 =	vsel vm1, $0xFF800000, v9;
	v10 =	vsel vm2, $0xFF800000, v10;
	vm1 =	veq.s32 v14, v7  }
0x3d: {  	v11 =	vsel vm1, $0xFF800000, v11;
	vm1 =	veq.s32 v14, v6;
	v15 =	vmax.f32 v9, v10  }
0x3e: {  	v12 =	vsel vm1, $0xFF800000, v12;
	v15 =	vmax.f32 v15, v11  }
0x3f: {  	v15 =	vmax.f32 v15, v12  }
0x40: {  	[tilespmem:$0x80] =	vst v15  }
0x41: {  	v16 =	vld.idx.msk [tilespmem:v2+s9+$0x0], $0xffff;
	_ =	sdelay $0x4  }
0x42: {  	v15 =	vmax.f32 v15, v16  }
0x43: {  	[tilespmem:$0x80] =	vst v15  }
0x44: {  	v61 =	vld.idx.msk [tilespmem:v3+s9+$0x0], $0xffff;
	_ =	sdelay $0x4  }
0x45: {  	v15 =	vmax.f32 v15, v61  }
0x46: {  	[tilespmem:$0x80] =	vst v15  }
0x47: {  	v62 =	vld.idx.msk [tilespmem:v4+s9+$0x0], $0xffff;
	_ =	sdelay $0x4  }
0x48: {  	v15 =	vmax.f32 v15, v62  }
0x49: {  	[tilespmem:$0x80] =	vst v15  }
0x4a: {  	v63 =	vld.idx.msk [tilespmem:v5+s9+$0x0], $0xffff;
	_ =	sdelay $0x4  }
0x4b: {  	v15 =	vmax.f32 v15, v63  }
0x4c: {  	vm1 =	veq.f32 v12, v15  }
0x4d: {  	vm2 =	veq.f32 v11, v15;
	v11 =	vnsel vm1, $0x40, v6  }
0x4e: {  	vm1 =	veq.f32 v10, v15;
	v10 =	vsel vm2, v7, v11  }
0x4f: {  	vm2 =	veq.f32 v9, v15;
	v9 =	vsel vm1, v8, v10  }
0x50: {  	v9 =	vsel vm2, v0, v9  }
0x51: {  	[tilespmem:$0x100] =	vst v9  }
0x52: {  	v10 =	vld.idx.msk [tilespmem:v2+s10+$0x0], $0xffff;
	_ =	sdelay $0x4  }
0x53: {  	vm1 =	vlt.s32 v9, v10  }
0x54: {  	v9 =	vsel vm1, v9, v10  }
0x55: {  	[tilespmem:$0x100] =	vst v9  }
0x56: {  	v10 =	vld.idx.msk [tilespmem:v3+s10+$0x0], $0xffff;
	_ =	sdelay $0x4  }
0x57: {  	vm1 =	vlt.s32 v9, v10  }
0x58: {  	v9 =	vsel vm1, v9, v10  }
0x59: {  	[tilespmem:$0x100] =	vst v9  }
0x5a: {  	v10 =	vld.idx.msk [tilespmem:v4+s10+$0x0], $0xffff;
	_ =	sdelay $0x4  }
0x5b: {  	vm1 =	vlt.s32 v9, v10  }
0x5c: {  	v10 =	vsel vm1, v9, v10;
	v9 =	vshll.u32 v14, $0x9  }
0x5d: {  	[tilespmem:$0x100] =	vst v10;
	v9 =	vor.u32 v1, v9  }
0x5e: {  	v11 =	vld.idx.msk [tilespmem:v5+s10+$0x0], $0xffff;
	[tilespmem:$0x180] =	vst v9  }
0x5f: {  	v13 =	vsub.f32 v15, v13;
	v12 =	vld.msk [tilespmem:$0x180], $0xff;
	_ =	sdelay $0x1  }
0x60: {  	v13 =	vmul.f32 $1.442695020e+00, v13;
	_ =	sdelay $0x1  }
0x61: {  	(erf) = vpow2.f32 v13  }
0x62: {  	v12 =	vshll.u32 v12, $0xB  }
0x63: {  	v12 =	vperm.xlane v12, v0  }
0x64: {  	vm1 =	vlt.s32 v10, v11  }
0x65: {  	v10 =	vsel vm1, v10, v11  }
0x66: {  	v10 =	vshll.u32 v10, $0x9  }
0x67: {  	v10 =	vor.u32 v1, v10  }
0x68: {  	s0 =	simm.s32 $0x380;
	[tilespmem:$0x280] =	vst v10  }
0x69: {  	[tilespmem:s0], [sflag:$0x1] =	stream.indirect_vreg.gather [hbm4b:s4+s2], $0x800, v12, vm0, $0x38;
	[tilespmem:$0x18380] =	vst v63  }
0x6a: {  	v12 =	vpop (erf);
	v11 =	vld.msk [tilespmem:$0x280], $0xff  }
0x6b: {  	v13 =	vadd.f32 $1.000000000e+00, v12;
	_ =	sdelay $0x1  }
0x6c: {  	(erf) = vrcp.f32 v13;
	_ =	sdelay $0x1  }
0x6d: {  	v11 =	vshll.u32 v11, $0xB  }
0x6e: {  	v11 =	vperm.xlane v11, v0;
	_ =	sdelay $0x4  }
0x6f: {  	s31 =	simm.s32 $0x8380  }
0x70: {  	[tilespmem:s31], [sflag:$0x3] =	stream.indirect_vreg.gather [hbm4b:s4+s2], $0x800, v11, vm0, $0x38;
	v11 =	vpop (erf);
	[tilespmem:$0x18380] =	vst v63  }
0x71: {  	v12 =	vmul.f32 v11, v12  }
0x72: {  	s24 =	simm.s32 $0x0  }
.LBB2_2:
0x73: {  	_ =	swait.ge [sflag:s13], $0x4000  }
0x74: {  	[sflag:s13] =	ssyncset.done $0x0  }
0x75: {  	[sflag:s13] =	ssyncadd.s32 $0xFFFFC000  }
0x76: {  	s25 =	sshllo.u32 s24, $0x1;
	_ =	swait.ge [sflag:s14], $0x4000  }
0x77: {  	s0 =	sshll.u32 s25, $0x3;
	[sflag:s14] =	ssyncset.done $0x0  }
0x78: {  	v13 =	vadd.s32 s0, v9;
	[sflag:s14] =	ssyncadd.s32 $0xFFFFC000  }
0x79: {  	[tilespmem:$0x200] =	vst v13  }
0x7a: {  	v13 =	vld.msk [tilespmem:$0x200], $0xff;
	_ =	sdelay $0x4  }
0x7b: {  	v13 =	vshll.u32 v13, $0xB  }
0x7c: {  	v13 =	vperm.xlane v13, v0;
	_ =	sdelay $0x3  }
0x7d: {  	v14 =	vadd.s32 s0, v10  }
0x7e: {  	[tilespmem:$0x300] =	vst v14  }
0x7f: {  	[tilespmem:s15], [sflag:$0x2] =	stream.indirect_vreg.gather [hbm4b:s4+s2], $0x800, v13, vm0, $0x38;
	[tilespmem:$0x18380] =	vst v63  }
0x80: {  	v13 =	vld.msk [tilespmem:$0x300], $0xff;
	_ =	sdelay $0x4  }
0x81: {  	v13 =	vshll.u32 v13, $0xB  }
0x82: {  	v13 =	vperm.xlane v13, v0;
	_ =	sdelay $0x3  }
0x83: {  	p0 =	seq.s32 s24, $0x0;
	s26 =	simm.s32 $0x0  }
0x84: {  	s3 =	sand.u32 $0x7, s26;
	s0 =	simm.s32 @!p0 $0x5  }
0x85: {  	[tilespmem:s16], [sflag:$0x4] =	stream.indirect_vreg.gather [hbm4b:s4+s2], $0x800, v13, vm0, $0x38;
	[tilespmem:$0x18380] =	vst v63  }
0x86: {  	s28 =	sand.u32 $0x3800, s26;
	s29 =	sshll.u32 s3, $0x8;
	_ =	swait.ge @!p0 [sflag:s0], $0x4000  }
0x87: {  	s28 =	sor.u32 s28, s29;
	s29 =	sand.u32 $0x80, s26;
	[sflag:s0] =	ssyncset.done @!p0 $0x0  }
0x88: {  	s29 =	sor.u32 s29, s28;
	[sflag:s0] =	ssyncadd.s32 @!p0 $0xFFFFC000  }
0x89: {  	v13 =	vld [tilespmem:s29+$0x3F0]  }
0x8a: {  	v14 =	vld [tilespmem:s29+$0x83F0]  }
0x8b: {  	v15 =	vld [tilespmem:s29+$0x380]  }
0x8c: {  	v16 =	vld [tilespmem:s29+$0x8380]  }
0x8d: {  	v17 =	vld [tilespmem:s29+$0x390]  }
0x8e: {  	s11 =	simm.s32 $0x0;
	v18 =	vld [tilespmem:s29+$0x8390]  }
0x8f: {  	s0 =	sand.u32 $0x8, s11;
	v22 =	vld [tilespmem:s29+$0x3A0]  }
0x90: {  	s12 =	simm.s32 $0x0;
	s0 =	sor.u32 s0, s3;
	v19 =	vmul.f32 v13, v11;
	v20 =	vmul.f32 v14, v12;
	v14 =	vld [tilespmem:s29+$0x83A0]  }
0x91: {  	s3 =	sand.u32 $0x380, s12;
	s0 =	sshll.u32 s0, $0xA;
	v13 =	vld [tilespmem:s29+$0x3B0];
	v21 =	vmul.f32 v15, v11;
	v23 =	vmul.f32 v16, v12  }
0x92: {  	s3 =	sor.u32 s3, s0;
	v15 =	vld [tilespmem:s29+$0x83B0];
	v24 =	vadd.f32 v20, v19  }
0x93: {  	s28 =	sadd.s32 $0x10380, s3;
	v16 =	vld [tilespmem:s29+$0x3C0];
	v19 =	vmul.f32 v17, v11;
	v20 =	vadd.f32 v23, v21;
	v21 =	vmul.f32 v18, v12  }
0x94: {  	s30 =	simm.s32 $0x0;
	s31 =	simm.s32 $0x1;
	s0 =	simm.s32 $0x0;
	v18 =	vmul.f32 v22, v11;
	v17 =	vld [tilespmem:s29+$0x83C0];
	[tilespmem:s28+$0x70] =	vst v24  }
.LBB2_3:
0x95: {  	s11 =	sand.u32 $0x7, s31;
	[tilespmem:s3+$0x10380] =	vst v20;
	v19 =	vadd.f32 v21, v19;
	v14 =	vmul.f32 v14, v12;
	v20 =	vld [tilespmem:s29+$0x3D0];
	s26 =	sadd.s32 $0x80, s26  }
0x96: {  	s0 =	sadd.s32 $0x10, s0;
	s3 =	sand.u32 $0x3800, s26;
	s12 =	sshll.u32 s11, $0x8;
	v13 =	vmul.f32 v13, v11;
	v21 =	vld [tilespmem:s29+$0x83D0]  }
0x97: {  	s3 =	sor.u32 s3, s12;
	s12 =	sand.u32 $0x80, s0;
	[tilespmem:s28+$0x10] =	vst v19;
	v14 =	vadd.f32 v14, v18;
	v15 =	vmul.f32 v15, v12;
	v18 =	vld [tilespmem:s29+$0x3E0]  }
0x98: {  	v16 =	vmul.f32 v16, v11;
	v19 =	vld [tilespmem:s29+$0x83E0];
	s29 =	sor.u32 s12, s3  }
0x99: {  	v22 =	vld [tilespmem:s29+$0x3F0];
	[tilespmem:s28+$0x20] =	vst v14;
	v13 =	vadd.f32 v15, v13;
	v14 =	vmul.f32 v17, v12  }
0x9a: {  	v15 =	vld [tilespmem:s29+$0x83F0];
	v17 =	vmul.f32 v20, v11  }
0x9b: {  	v20 =	vld [tilespmem:s29+$0x380];
	[tilespmem:s28+$0x30] =	vst v13;
	v13 =	vadd.f32 v14, v16;
	v14 =	vmul.f32 v21, v12  }
0x9c: {  	s30 =	sadd.s32 $0x8, s30;
	v16 =	vld [tilespmem:s29+$0x8380];
	v18 =	vmul.f32 v18, v11  }
0x9d: {  	p0 =	slt.u32 s30, $0x3F8;
	s3 =	sshrl.u32 s30, $0x6;
	v21 =	vld [tilespmem:s29+$0x390];
	[tilespmem:s28+$0x40] =	vst v13;
	v13 =	vadd.f32 v14, v17;
	v14 =	vmul.f32 v19, v12  }
0x9e: {  	s3 =	sand.u32 $0x8, s3;
	v17 =	vld [tilespmem:s29+$0x8390]  }
0x9f: {  	s3 =	sor.u32 s3, s11;
	s11 =	sshll.u32 s30, $0x1;
	v19 =	vmul.f32 v22, v11;
	v23 =	vld [tilespmem:s29+$0x3A0];
	v15 =	vmul.f32 v15, v12;
	[tilespmem:s28+$0x50] =	vst v13;
	v18 =	vadd.f32 v14, v18  }
.Ltmp0:
0xa0: {  	s11 =	sand.u32 $0x380, s11;
	s3 =	sshll.u32 s3, $0xA;
	v20 =	vmul.f32 v20, v11;
	v14 =	vld [tilespmem:s29+$0x83A0];
	(pc) =	sbr.rel @p0 .LBB2_3-.Ltmp0, $4  }
0xa1: {  	s3 =	sor.u32 s11, s3;
	v16 =	vmul.f32 v16, v12;
	v13 =	vld [tilespmem:s29+$0x3B0];
	v22 =	vadd.f32 v15, v19;
	[tilespmem:s28+$0x60] =	vst v18  }
0xa2: {  	s28 =	sadd.s32 $0x10380, s3;
	v19 =	vmul.f32 v21, v11;
	v15 =	vld [tilespmem:s29+$0x83B0]  }
0xa3: {  	v20 =	vadd.f32 v16, v20;
	v21 =	vmul.f32 v17, v12;
	v16 =	vld [tilespmem:s29+$0x3C0];
	[tilespmem:s28+$0x70] =	vst v22  }
0xa4: {  	s31 =	sadd.s32 $0x1, s31;
	v18 =	vmul.f32 v23, v11;
	v17 =	vld [tilespmem:s29+$0x83C0]  }
0xa5: {  	v22 =	vld [tilespmem:s29+$0x3D0]  }
0xa6: {  	v23 =	vld [tilespmem:s29+$0x83D0]  }
0xa7: {  	v24 =	vld [tilespmem:s29+$0x3E0]  }
0xa8: {  	v25 =	vld [tilespmem:s29+$0x83E0]  }
0xa9: {  	v14 =	vmul.f32 v14, v12  }
0xaa: {  	v19 =	vadd.f32 v21, v19;
	v13 =	vmul.f32 v13, v11;
	v15 =	vmul.f32 v15, v12  }
0xab: {  	[tilespmem:s3+$0x10380] =	vst v20;
	v14 =	vadd.f32 v14, v18;
	v16 =	vmul.f32 v16, v11;
	v17 =	vmul.f32 v17, v12  }
0xac: {  	[tilespmem:s28+$0x10] =	vst v19;
	v13 =	vadd.f32 v15, v13;
	v15 =	vmul.f32 v22, v11;
	v18 =	vmul.f32 v23, v12  }
0xad: {  	[tilespmem:s28+$0x20] =	vst v14;
	v14 =	vadd.f32 v17, v16;
	v16 =	vmul.f32 v24, v11;
	v17 =	vmul.f32 v25, v12  }
0xae: {  	s0 =	sshll.u32 s24, $0xF;
	[tilespmem:s28+$0x30] =	vst v13;
	v13 =	vadd.f32 v18, v15  }
0xaf: {  	s0 =	sadd.s32 s6, s0;
	[tilespmem:s28+$0x40] =	vst v14;
	v14 =	vadd.f32 v17, v16  }
0xb0: {  	s0 =	sshrl.u32 s0, $0x3;
	[tilespmem:s28+$0x50] =	vst v13  }
0xb1: {  	s0 =	sadd.s32 s1, s0;
	[tilespmem:s28+$0x60] =	vst v14  }
0xb2: {  	[hbm4b:s0+s2] =	stream.linear.scatter [tilespmem:s17], [sflag:$0x5], $0x4000, $0x38;
	[tilespmem:$0x18380] =	vst v63  }
0xb3: {  	_ =	swait.ge [sflag:s18], $0x4000  }
0xb4: {  	[sflag:s18] =	ssyncset.done $0x0  }
0xb5: {  	p0 =	seq.s32 s24, $0x3;
	[sflag:s18] =	ssyncadd.s32 $0xFFFFC000  }
0xb6: {  	s0 =	sshll.u32 @!p0 s24, $0x4;
	_ =	swait.ge [sflag:s19], $0x4000  }
0xb7: {  	s0 =	sadd.s32 @!p0 $0x10, s0;
	[sflag:s19] =	ssyncset.done $0x0  }
0xb8: {  	v13 =	vadd.s32 @!p0 s0, v9;
	[sflag:s19] =	ssyncadd.s32 $0xFFFFC000  }
0xb9: {  	[tilespmem:$0x180] =	vst @!p0 v13  }
0xba: {  	v13 =	vld.msk @!p0 [tilespmem:$0x180], $0xff;
	_ =	sdelay $0x4  }
0xbb: {  	v14 =	vlaneseq.u32 @!p0;
	v13 =	vshll.u32 @!p0 v13, $0xB  }
0xbc: {  	v13 =	vperm.xlane @!p0 v13, v14;
	_ =	sdelay $0x3  }
0xbd: {  	v15 =	vadd.s32 @!p0 s0, v10  }
0xbe: {  	vm1 =	vmmov @!p0 $0xff;
	s3 =	simm.s32 @!p0 $0x380;
	s0 =	simm.s32 @!p0 $0x0;
	[tilespmem:$0x280] =	vst @!p0 v15  }
0xbf: {  	[tilespmem:s3], [sflag:$0x1] =	stream.indirect_vreg.gather @!p0 [hbm4b:s4+s0], $0x800, v13, vm1, $0x38;
	[tilespmem:$0x18380] =	vst v63  }
0xc0: {  	v13 =	vld.msk @!p0 [tilespmem:$0x280], $0xff;
	_ =	sdelay $0x4  }
0xc1: {  	v13 =	vshll.u32 @!p0 v13, $0xB  }
0xc2: {  	v13 =	vperm.xlane @!p0 v13, v14;
	_ =	sdelay $0x4  }
0xc3: {  	s26 =	simm.s32 $0x0;
	p1 =	seq.s32 @!p0 s24, $0x0;
	s3 =	simm.s32 @!p0 $0x8380  }
0xc4: {  	[tilespmem:s3], [sflag:$0x3] =	stream.indirect_vreg.gather @!p0 [hbm4b:s4+s0], $0x800, v13, vm1, $0x38;
	[tilespmem:$0x18380] =	vst v63  }
0xc5: {  	p0 =	por p0, !p1;
	s0 =	sand.u32 $0x7, s26  }
0xc6: {  	s12 =	sand.u32 $0x3800, s26;
	_ =	swait.ge @p0 [sflag:s22], $0x4000;
	s11 =	sshll.u32 s0, $0x8  }
0xc7: {  	[sflag:s22] =	ssyncset.done @p0 $0x0;
	s3 =	sor.u32 s12, s11;
	s12 =	sand.u32 $0x80, s26  }
0xc8: {  	[sflag:s22] =	ssyncadd.s32 @p0 $0xFFFFC000;
	s29 =	sor.u32 s12, s3  }
0xc9: {  	v13 =	vld [tilespmem:s29+$0x43F0]  }
0xca: {  	v14 =	vld [tilespmem:s29+$0xC3F0]  }
0xcb: {  	v15 =	vld [tilespmem:s29+$0x4380]  }
0xcc: {  	v16 =	vld [tilespmem:s29+$0xC380]  }
0xcd: {  	v17 =	vld [tilespmem:s29+$0x4390]  }
0xce: {  	s11 =	simm.s32 $0x0;
	v18 =	vld [tilespmem:s29+$0xC390]  }
0xcf: {  	s3 =	sand.u32 $0x8, s11;
	v22 =	vld [tilespmem:s29+$0x43A0]  }
0xd0: {  	s12 =	simm.s32 $0x0;
	s0 =	sor.u32 s3, s0;
	v19 =	vmul.f32 v13, v11;
	v20 =	vmul.f32 v14, v12;
	v14 =	vld [tilespmem:s29+$0xC3A0]  }
0xd1: {  	s3 =	sand.u32 $0x380, s12;
	s0 =	sshll.u32 s0, $0xA;
	v13 =	vld [tilespmem:s29+$0x43B0];
	v21 =	vmul.f32 v15, v11;
	v23 =	vmul.f32 v16, v12  }
0xd2: {  	s3 =	sor.u32 s3, s0;
	v15 =	vld [tilespmem:s29+$0xC3B0];
	v63 =	vadd.f32 v20, v19  }
0xd3: {  	s28 =	sadd.s32 $0x14380, s3;
	v16 =	vld [tilespmem:s29+$0x43C0];
	v19 =	vmul.f32 v17, v11;
	v20 =	vadd.f32 v23, v21;
	v21 =	vmul.f32 v18, v12  }
0xd4: {  	s30 =	simm.s32 $0x0;
	s31 =	simm.s32 $0x1;
	s0 =	simm.s32 $0x0;
	v18 =	vmul.f32 v22, v11;
	v17 =	vld [tilespmem:s29+$0xC3C0];
	[tilespmem:s28+$0x70] =	vst v63  }
.LBB2_5:
0xd5: {  	s11 =	sand.u32 $0x7, s31;
	[tilespmem:s3+$0x14380] =	vst v20;
	v19 =	vadd.f32 v21, v19;
	v14 =	vmul.f32 v14, v12;
	v20 =	vld [tilespmem:s29+$0x43D0];
	s26 =	sadd.s32 $0x80, s26  }
0xd6: {  	s0 =	sadd.s32 $0x10, s0;
	s3 =	sand.u32 $0x3800, s26;
	s12 =	sshll.u32 s11, $0x8;
	v13 =	vmul.f32 v13, v11;
	v21 =	vld [tilespmem:s29+$0xC3D0]  }
0xd7: {  	s3 =	sor.u32 s3, s12;
	s12 =	sand.u32 $0x80, s0;
	[tilespmem:s28+$0x10] =	vst v19;
	v14 =	vadd.f32 v14, v18;
	v15 =	vmul.f32 v15, v12;
	v18 =	vld [tilespmem:s29+$0x43E0]  }
0xd8: {  	v16 =	vmul.f32 v16, v11;
	v19 =	vld [tilespmem:s29+$0xC3E0];
	s29 =	sor.u32 s12, s3  }
0xd9: {  	v22 =	vld [tilespmem:s29+$0x43F0];
	[tilespmem:s28+$0x20] =	vst v14;
	v13 =	vadd.f32 v15, v13;
	v14 =	vmul.f32 v17, v12  }
0xda: {  	v15 =	vld [tilespmem:s29+$0xC3F0];
	v17 =	vmul.f32 v20, v11  }
0xdb: {  	v20 =	vld [tilespmem:s29+$0x4380];
	[tilespmem:s28+$0x30] =	vst v13;
	v13 =	vadd.f32 v14, v16;
	v14 =	vmul.f32 v21, v12  }
0xdc: {  	s30 =	sadd.s32 $0x8, s30;
	v16 =	vld [tilespmem:s29+$0xC380];
	v18 =	vmul.f32 v18, v11  }
0xdd: {  	p0 =	slt.u32 s30, $0x3F8;
	s3 =	sshrl.u32 s30, $0x6;
	v21 =	vld [tilespmem:s29+$0x4390];
	[tilespmem:s28+$0x40] =	vst v13;
	v13 =	vadd.f32 v14, v17;
	v14 =	vmul.f32 v19, v12  }
0xde: {  	s3 =	sand.u32 $0x8, s3;
	v17 =	vld [tilespmem:s29+$0xC390]  }
0xdf: {  	s3 =	sor.u32 s3, s11;
	s11 =	sshll.u32 s30, $0x1;
	v19 =	vmul.f32 v22, v11;
	v23 =	vld [tilespmem:s29+$0x43A0];
	v15 =	vmul.f32 v15, v12;
	[tilespmem:s28+$0x50] =	vst v13;
	v18 =	vadd.f32 v14, v18  }
.Ltmp1:
0xe0: {  	s11 =	sand.u32 $0x380, s11;
	s3 =	sshll.u32 s3, $0xA;
	v20 =	vmul.f32 v20, v11;
	v14 =	vld [tilespmem:s29+$0xC3A0];
	(pc) =	sbr.rel @p0 .LBB2_5-.Ltmp1, $4  }
0xe1: {  	s3 =	sor.u32 s11, s3;
	v16 =	vmul.f32 v16, v12;
	v13 =	vld [tilespmem:s29+$0x43B0];
	v22 =	vadd.f32 v15, v19;
	[tilespmem:s28+$0x60] =	vst v18  }
0xe2: {  	s28 =	sadd.s32 $0x14380, s3;
	v19 =	vmul.f32 v21, v11;
	v15 =	vld [tilespmem:s29+$0xC3B0]  }
0xe3: {  	v20 =	vadd.f32 v16, v20;
	v21 =	vmul.f32 v17, v12;
	v16 =	vld [tilespmem:s29+$0x43C0];
	[tilespmem:s28+$0x70] =	vst v22  }
0xe4: {  	s31 =	sadd.s32 $0x1, s31;
	v18 =	vmul.f32 v23, v11;
	v17 =	vld [tilespmem:s29+$0xC3C0]  }
0xe5: {  	v22 =	vld [tilespmem:s29+$0x43D0]  }
0xe6: {  	v23 =	vld [tilespmem:s29+$0xC3D0]  }
0xe7: {  	v24 =	vld [tilespmem:s29+$0x43E0]  }
0xe8: {  	v25 =	vld [tilespmem:s29+$0xC3E0]  }
0xe9: {  	v14 =	vmul.f32 v14, v12  }
0xea: {  	v19 =	vadd.f32 v21, v19;
	v13 =	vmul.f32 v13, v11;
	v15 =	vmul.f32 v15, v12  }
0xeb: {  	[tilespmem:s3+$0x14380] =	vst v20;
	v14 =	vadd.f32 v14, v18;
	v16 =	vmul.f32 v16, v11;
	v17 =	vmul.f32 v17, v12  }
0xec: {  	s24 =	sadd.s32 $0x1, s24;
	[tilespmem:s28+$0x10] =	vst v19;
	v13 =	vadd.f32 v15, v13;
	v15 =	vmul.f32 v22, v11;
	v61 =	vmul.f32 v23, v12  }
0xed: {  	p0 =	sne.s32 s24, $0x4;
	[tilespmem:s28+$0x20] =	vst v14;
	v62 =	vmul.f32 v24, v11;
	v63 =	vmul.f32 v25, v12;
	v14 =	vadd.f32 v17, v16  }
.Ltmp2:
0xee: {  	s0 =	sshll.u32 s25, $0xE;
	[tilespmem:s28+$0x30] =	vst v13;
	v13 =	vadd.f32 v61, v15;
	(pc) =	sbr.rel @p0 .LBB2_2-.Ltmp2, $4  }
0xef: {  	s0 =	sadd.s32 s6, s0;
	[tilespmem:s28+$0x40] =	vst v14;
	v14 =	vadd.f32 v63, v62  }
0xf0: {  	s0 =	sshrl.u32 s0, $0x3;
	[tilespmem:s28+$0x50] =	vst v13  }
0xf1: {  	s0 =	sadd.s32 s1, s0;
	[tilespmem:s28+$0x60] =	vst v14  }
0xf2: {  	[hbm4b:s0+s2] =	stream.linear.scatter [tilespmem:s20], [sflag:$0x6], $0x4000, $0x38;
	[tilespmem:$0x18380] =	vst v63  }
0xf3: {  	s23 =	sadd.s32 $0x1, s23  }
0xf4: {  	_ =	swait.ge [sflag:s21], $0x4000;
	p0 =	sne.s32 s23, s7  }
.Ltmp3:
0xf5: {  	[sflag:s21] =	ssyncset.done $0x0;
	(pc) =	sbr.rel @p0 .LBB2_1-.Ltmp3, $4  }
0xf6: {  	[sflag:s21] =	ssyncadd.s32 $0xFFFFC000  }
0xf7: {  	_ =	swait.ge [sflag:s22], $0x4000  }
0xf8: {  	[sflag:s22] =	ssyncset.done $0x0  }
0xf9: {  	[sflag:s22] =	ssyncadd.s32 $0xFFFFC000  }
0xfa: {  	_ =	sfence.sel $0x180000  }
0xfb: {  	[bflag:$0x0] =	sbarrier.arrive $0xFFFF  }
0xfc: {  	_ =	strace $0x90000047  }
0xfd: {  	s0 =	stileid.u32;
	[bflag:$0x2] =	sbarrier.arrive $0xFFFF  }
0xfe: {  	p0 =	sne.s32 s0, $0x0;
	s0 =	rddreg [dreg:$0x3]  }
0xff: {  	s0 =	sadd.s32 @!p0 $0x100000, s0  }
0x100: {  	[sflag:s0] =	ssyncadd.tile.s32 @!p0 $0x1;
	_ =	shalt  }
.Lfunc_end2:
_tile_overlayer_lowered:
.L_overlay_start_2:
0x101: {  	(tag) =	ssettag $0x2  }
0x102: {  	s0 =	rddreg [dreg:$0x0];
	s2 =	stileid.u32  }
0x103: {  	s1 =	rddreg [dreg:$0x1];
	p0 =	sne.s32 s2, $0x0  }
0x104: {  	s3 =	rddreg [dreg:$0x2];
	[bflag:$0x3] =	sbarrier.arrive $0xFFFF;
	s2 =	simm.s32 @!p0 $0x1C07  }
0x105: {  	[timem:s3], [sflag:s2] =	dma.local @!p0 [hbm:s0], s1  }
0x106: {  	s0 =	simm.s32 @!p0 $0x7  }
0x107: {  	_ =	swait.ge @!p0 [sflag:s0], s1  }
0x108: {  	s1 =	ssub.s32 @!p0 $0x0, s1;
	[sflag:s0] =	ssyncset.done @!p0 $0x0  }
0x109: {  	[sflag:s0] =	ssyncadd.s32 @!p0 s1  }
0x10a: {  	[bflag:$0x3] =	sbarrier.arrive $0xFFFF  }
0x10b: {  	_ =	shalt  }

</sc_bundles>
